<compile_context>
chip_gen: v7x
topology: tpu7x:2x2x1
jax: 0.10.2.dev20260603
libtpu: 0.0.44.dev20260713+nightly
codegen_flags: <defaults>
</compile_context>

<pallas_src>
import dataclasses
import functools

import jax
import jax.numpy as jnp
from jax import lax
from jax.experimental import pallas as pl
from jax.experimental.pallas import tpu as pltpu
from jax.experimental.pallas import tpu_sc as plsc

B = 16
N = 16384
C = 128
HID = 128
K = 11468
ROWS = 128
NCH = 45
KPAD = 2 * NCH * ROWS
_MINT = -(2 ** 31)


BN = N


def _tc_body(tok_ref, w1_ref, b1_ref, w2_ref, key_ref):
    x = tok_ref[0]
    h = lax.dot_general(x, w1_ref[...], (((1,), (1,)), ((), ())))
    h = h + b1_ref[...]
    h = 0.5 * h * (1.0 + lax.erf(h * (2.0 ** -0.5)))
    s = lax.dot_general(w2_ref[...], h, (((1,), (1,)), ((), ())))
    s = s + 0.0
    bits = lax.bitcast_convert_type(s, jnp.int32)
    mint = jnp.int32(_MINT)
    ikey = jnp.where(bits < 0, jnp.bitwise_xor(jnp.bitwise_not(bits), mint),
                     bits)
    key_ref[...] = ikey.reshape(1, 1, BN)


def _tc_scores(tokens, W1, b1, W2):
    return pl.pallas_call(
        _tc_body,
        grid=(B, N // BN),
        in_specs=[
            pl.BlockSpec((1, BN, C), lambda b, j: (b, j, 0)),
            pl.BlockSpec((HID, C), lambda b, j: (0, 0)),
            pl.BlockSpec((1, HID), lambda b, j: (0, 0)),
            pl.BlockSpec((1, HID), lambda b, j: (0, 0)),
        ],
        out_specs=pl.BlockSpec((1, 1, BN), lambda b, j: (b, 0, j)),
        out_shape=jax.ShapeDtypeStruct((B, 1, N), jnp.int32),
        compiler_params=pltpu.CompilerParams(
            dimension_semantics=("parallel", "parallel")),
    )(tokens, W1, b1.reshape(1, HID), W2)


def _tc_thresh_body(key_ref, tm_ref):
    keys = key_ref[...]
    mint = jnp.int32(_MINT)

    def bit_step(i, p):
        cand_u = jnp.bitwise_or(p, jnp.left_shift(jnp.int32(1), 31 - i))
        cand_i = jnp.bitwise_xor(cand_u, mint)
        cnt = jnp.sum((keys >= cand_i).astype(jnp.int32), axis=1, keepdims=True)
        return jnp.where(cnt >= K, cand_u, p)

    p = lax.fori_loop(0, 32, bit_step, jnp.zeros((B, 1), jnp.int32))
    t = jnp.bitwise_xor(p, mint)
    cnt_gt = jnp.sum((keys > t).astype(jnp.int32), axis=1, keepdims=True)
    m = K - cnt_gt
    tm_ref[...] = jnp.concatenate(
        [jnp.broadcast_to(t, (B, 16)), jnp.broadcast_to(m, (B, 16))], axis=1)


def _tc_thresh(keys):
    return pl.pallas_call(
        _tc_thresh_body,
        out_shape=jax.ShapeDtypeStruct((B, 32), jnp.int32),
    )(keys)


def _sc_params():
    cp = pltpu.CompilerParams()
    if "needs_layout_passes" in pltpu.CompilerParams.__dataclass_fields__:
        cp = dataclasses.replace(cp, needs_layout_passes=False)
    return cp


def _sc_compact(keys, tm):
    mesh = plsc.VectorSubcoreMesh(core_axis_name="c", subcore_axis_name="s")

    @functools.partial(
        pl.kernel,
        out_type=jax.ShapeDtypeStruct((B, KPAD), jnp.int32),
        mesh=mesh,
        compiler_params=_sc_params(),
        scratch_types=[
            pltpu.VMEM((N,), jnp.int32),
            pltpu.VMEM((KPAD,), jnp.int32),
            pltpu.VMEM((32,), jnp.int32),
            pltpu.SemaphoreType.DMA,
        ],
    )
    def kern(keys_hbm, tm_hbm, out_hbm, keys_v, idx_v, tm_v, sem):
        wid = lax.axis_index("s") * 2 + lax.axis_index("c")

        @pl.when(wid < B)
        def _():
            pltpu.async_copy(keys_hbm.at[wid], keys_v, sem).wait()
            pltpu.async_copy(tm_hbm.at[wid], tm_v, sem).wait()
            t_vec = tm_v[pl.ds(0, 16)]
            m_vec = tm_v[pl.ds(16, 16)]
            lanes = lax.iota(jnp.int32, 16)

            @pl.loop(0, KPAD - K, step=16)
            def _(j):
                plsc.store_scatter(idx_v, [K + j + lanes], j + lanes,
                                   mask=(j + lanes) < (KPAD - K))

            def step(i, carry):
                base_v, eqb_v = carry
                kv = keys_v[pl.ds(i * 16, 16)]
                gt = kv > t_vec
                eq = kv == t_vec
                eqrank = eqb_v + plsc.cumsum(eq.astype(jnp.int32)) - 1
                sel = jnp.logical_or(gt, jnp.logical_and(eq, eqrank < m_vec))
                pos = base_v + plsc.cumsum(sel.astype(jnp.int32)) - 1
                plsc.store_scatter(idx_v, [pos], i * 16 + lanes, mask=sel)
                nsel = jnp.sum(sel.astype(jnp.int32))
                neq = jnp.sum(eq.astype(jnp.int32))
                return base_v + nsel, eqb_v + neq

            zero_v = jnp.zeros((16,), jnp.int32)
            lax.fori_loop(0, N // 16, step, (zero_v, zero_v))
            pltpu.async_copy(idx_v, out_hbm.at[wid], sem).wait()

    return kern(keys, tm)


_TAIL = K - (2 * NCH - 1) * ROWS


def _sc_gather(table, idx_flat):
    mesh = plsc.VectorSubcoreMesh(core_axis_name="c", subcore_axis_name="s")

    @functools.partial(
        pl.kernel,
        out_type=jax.ShapeDtypeStruct((K, B, C), jnp.float32),
        mesh=mesh,
        compiler_params=dataclasses.replace(
            _sc_params(), use_tc_tiling_on_sc=True),
        scratch_types=[
            pltpu.VMEM((NCH * ROWS,), jnp.int32),
            pltpu.VMEM((NCH, ROWS), jnp.int32),
            pltpu.VMEM((ROWS, C), jnp.float32),
            pltpu.VMEM((ROWS, C), jnp.float32),
            pltpu.VMEM((ROWS, C), jnp.float32),
            pltpu.SemaphoreType.DMA,
            pltpu.SemaphoreType.DMA,
            pltpu.SemaphoreType.DMA,
            pltpu.SemaphoreType.DMA,
            pltpu.SemaphoreType.DMA,
            pltpu.SemaphoreType.DMA,
        ],
    )
    def kern(tab_hbm, idx_hbm, out_hbm, idx_v, gidx_v, buf0, buf1, buf2,
             g0, g1, g2, s0, s1, s2):
        b = lax.axis_index("s")
        hh = lax.axis_index("c")
        base = (b * 2 + hh) * (NCH * ROWS)
        pltpu.async_copy(idx_hbm.at[pl.ds(base, NCH * ROWS)], idx_v, g0).wait()
        bn = b * N

        @pl.loop(0, NCH)
        def _(r):
            @pl.loop(0, ROWS, step=16)
            def _(c):
                gidx_v[r, pl.ds(c, 16)] = idx_v[pl.ds(r * ROWS + c, 16)] + bn

        def gcp(r, buf, sem):
            return pltpu.make_async_copy(tab_hbm.at[gidx_v.at[r]], buf, sem)

        last_g = 2 * NCH - 1

        def full_cp(r, buf, sem):
            start = (hh * NCH + r) * ROWS
            return pltpu.make_async_copy(
                buf, out_hbm.at[pl.ds(start, ROWS), b], sem)

        def tail_cp(buf, sem):
            return pltpu.make_async_copy(
                buf.at[pl.ds(0, _TAIL)],
                out_hbm.at[pl.ds(last_g * ROWS, _TAIL), b], sem)

        def ostart(r, buf, sem):
            g = hh * NCH + r

            @pl.when(g < last_g)
            def _():
                full_cp(r, buf, sem).start()

            @pl.when(g == last_g)
            def _():
                tail_cp(buf, sem).start()

        def owait(r, buf, sem):
            g = hh * NCH + r

            @pl.when(g < last_g)
            def _():
                full_cp(r, buf, sem).wait()

            @pl.when(g == last_g)
            def _():
                tail_cp(buf, sem).wait()

        bufs = (buf0, buf1, buf2)
        gsems = (g0, g1, g2)
        ssems = (s0, s1, s2)
        gcp(0, buf0, g0).start()
        gcp(1, buf1, g1).start()
        gcp(2, buf2, g2).start()

        @pl.loop(0, NCH, step=3)
        def _(r):
            for l in range(3):
                c = r + l
                gcp(c, bufs[l], gsems[l]).wait()
                ostart(c, bufs[l], ssems[l])
                owait(c, bufs[l], ssems[l])

                @pl.when(c + 3 < NCH)
                def _():
                    gcp(c + 3, bufs[l], gsems[l]).start()

    return kern(table, idx_flat)


def kernel(tokens, W1, b1, W2, b2, spatial_shape):
    del b2, spatial_shape
    keys = _tc_scores(tokens, W1, b1, W2).reshape(B, N)
    tm = _tc_thresh(keys)
    idx_pad = _sc_compact(keys, tm)
    top_idx = idx_pad[:, :K]
    pruned_kbc = _sc_gather(tokens.reshape(B * N, C), idx_pad.reshape(-1))
    return (jnp.transpose(pruned_kbc, (1, 0, 2)), top_idx)

# --- scband reference (transcript-rebuilt; emitter-appended) ---
"""Pipeline reference for scband-token-pruner-8641474200503 (READ-ONLY COPY).

The authoritative reference and input builder live on the scoring server;
editing this copy changes nothing except your own understanding.
"""

import jax, jax.numpy as jnp
import numpy as np

B, N, C = 16, 16384, 128
HID = 128
KEEP_RATIO = 0.7
MIN_TOKENS = 100
NUM_KEEP = max(MIN_TOKENS, int(N * KEEP_RATIO))  # 11468


def setup_inputs(seed: int = 0) -> dict:
    key = jax.random.key(seed)
    k1, k2, k3 = jax.random.split(key, 3)
    tokens = jax.random.normal(k1, (B, N, C), dtype=jnp.float32)
    # fc1: Linear(C -> HID), xavier_uniform weight, zero bias
    lim1 = float(np.sqrt(6.0 / (C + HID)))
    W1 = jax.random.uniform(k2, (HID, C), minval=-lim1, maxval=lim1, dtype=jnp.float32)
    b1 = jnp.zeros((HID,), dtype=jnp.float32)
    # fc2: Linear(HID -> 1), xavier_uniform weight, zero bias
    lim2 = float(np.sqrt(6.0 / (HID + 1)))
    W2 = jax.random.uniform(k3, (1, HID), minval=-lim2, maxval=lim2, dtype=jnp.float32)
    b2 = jnp.zeros((1,), dtype=jnp.float32)
    return {"tokens": tokens, "W1": W1, "b1": b1, "W2": W2, "b2": b2, "spatial_shape": 128}


def reference(tokens, W1, b1, W2, b2, spatial_shape):
    # Pruning-enabled path (set_epoch(>= 2*warmup_epochs) => current_keep_ratio == keep_ratio).
    # Importance predictor MLP (dropout is identity in eval): [B, N, C] -> [B, N]
    h = jax.nn.gelu(jnp.einsum('bnc,hc->bnh', tokens, W1) + b1, approximate=False)
    scores = (jnp.einsum('bnh,oh->bno', h, W2) + b2)[..., 0]  # [B, N]
    # adaptive=True: softmax then top-k (indices identical to top-k on raw scores)
    probs = jax.nn.softmax(scores, axis=-1)
    _, top_idx = jax.lax.top_k(probs, NUM_KEEP)
    top_idx_sorted = jnp.sort(top_idx, axis=-1)  # ascending, like torch.sort
    pruned_tokens = jnp.take_along_axis(tokens, top_idx_sorted[..., None], axis=1)  # [B, NUM_KEEP, C]
    return (pruned_tokens, top_idx_sorted)

if __name__ == "__main__":
    import jax
    _d = setup_inputs()
    print(jax.jit(kernel)(*tuple(_d.values())))

</pallas_src>

<mosaic_0001>
#map = affine_map<(d0, d1) -> (0, 0)>
module attributes {stable_mosaic.version = 14 : i64} {
  func.func @kern(%arg0: i32, %arg1: i32, %arg2: memref<16x16384xi32, #tpu.memory_space<hbm>>, %arg3: memref<16x32xi32, #tpu.memory_space<hbm>>, %arg4: memref<16x11520xi32, #tpu.memory_space<hbm>>, %arg5: memref<16384xi32, #tpu.memory_space<vmem>>, %arg6: memref<11520xi32, #tpu.memory_space<vmem>>, %arg7: memref<32xi32, #tpu.memory_space<vmem>>, %arg8: memref<!tpu.dma_semaphore, #tpu.memory_space<semaphore_mem>>) attributes {dimension_semantics = [#tpu.dimension_semantics<core_parallel>, #tpu.dimension_semantics<subcore_parallel>], iteration_bounds = array<i64: 2, 16>, scalar_prefetch = 0 : i64, scratch_operands = 4 : i64, tpu.core_type = #tpu.core_type<sc_vector_subcore>, window_params = [{transform_indices = #map}, {transform_indices = #map}, {transform_indices = #map}]} {
    %mul3A = arith.constant 2 : i32
    %mul3A_0 = arith.muli %arg1, %mul3A : i32
    %add3A = arith.addi %mul3A_0, %arg0 : i32
    %lt3A = arith.constant 16 : i32
    %lt3A_1 = arith.cmpi slt, %add3A, %lt3A : i32
    %convert_element_type3A = arith.extui %lt3A_1 : i1 to i32
    %cond3A = arith.constant 0 : i32
    %cond3A_2 = arith.cmpi ne, %convert_element_type3A, %cond3A : i32
    scf.if %cond3A_2 {
      %dma_start3A = arith.constant 0 : i32
      %dma_start3A_3 = tpu.memref_slice %arg2[%add3A, %dma_start3A] : memref<16x16384xi32, #tpu.memory_space<hbm>> -> memref<1x16384xi32, #tpu.memory_space<hbm>>
      %dma_start3A_4 = tpu.memref_squeeze %dma_start3A_3 : memref<1x16384xi32, #tpu.memory_space<hbm>> -> memref<16384xi32, #tpu.memory_space<hbm>>
      %dma_start3A_5 = arith.constant 0 : i32
      %dma_start3A_6 = tpu.memref_slice %arg2[%add3A, %dma_start3A_5] : memref<16x16384xi32, #tpu.memory_space<hbm>> -> memref<1x16384xi32, #tpu.memory_space<hbm>>
      %dma_start3A_7 = tpu.memref_squeeze %dma_start3A_6 : memref<1x16384xi32, #tpu.memory_space<hbm>> -> memref<16384xi32, #tpu.memory_space<hbm>>
      tpu.enqueue_dma source(%dma_start3A_7 : memref<16384xi32, #tpu.memory_space<hbm>>) target(%arg5 : memref<16384xi32, #tpu.memory_space<vmem>>) target_semaphore(%arg8 : memref<!tpu.dma_semaphore, #tpu.memory_space<semaphore_mem>>)
      %dma_wait3A = arith.constant 0 : i32
      %dma_wait3A_8 = tpu.memref_slice %arg2[%add3A, %dma_wait3A] : memref<16x16384xi32, #tpu.memory_space<hbm>> -> memref<1x16384xi32, #tpu.memory_space<hbm>>
      %dma_wait3A_9 = tpu.memref_squeeze %dma_wait3A_8 : memref<1x16384xi32, #tpu.memory_space<hbm>> -> memref<16384xi32, #tpu.memory_space<hbm>>
      %dma_wait3A_10 = arith.constant 0 : i32
      %dma_wait3A_11 = tpu.memref_slice %arg2[%add3A, %dma_wait3A_10] : memref<16x16384xi32, #tpu.memory_space<hbm>> -> memref<1x16384xi32, #tpu.memory_space<hbm>>
      %dma_wait3A_12 = tpu.memref_squeeze %dma_wait3A_11 : memref<1x16384xi32, #tpu.memory_space<hbm>> -> memref<16384xi32, #tpu.memory_space<hbm>>
      tpu.wait_dma2 semaphore(%arg8 : memref<!tpu.dma_semaphore, #tpu.memory_space<semaphore_mem>>) src(%dma_wait3A_12 : memref<16384xi32, #tpu.memory_space<hbm>>) dst(%arg5 : memref<16384xi32, #tpu.memory_space<vmem>>)
      %dma_start3A_13 = arith.constant 0 : i32
      %dma_start3A_14 = tpu.memref_slice %arg3[%add3A, %dma_start3A_13] : memref<16x32xi32, #tpu.memory_space<hbm>> -> memref<1x32xi32, #tpu.memory_space<hbm>>
      %dma_start3A_15 = tpu.memref_squeeze %dma_start3A_14 : memref<1x32xi32, #tpu.memory_space<hbm>> -> memref<32xi32, #tpu.memory_space<hbm>>
      %dma_start3A_16 = arith.constant 0 : i32
      %dma_start3A_17 = tpu.memref_slice %arg3[%add3A, %dma_start3A_16] : memref<16x32xi32, #tpu.memory_space<hbm>> -> memref<1x32xi32, #tpu.memory_space<hbm>>
      %dma_start3A_18 = tpu.memref_squeeze %dma_start3A_17 : memref<1x32xi32, #tpu.memory_space<hbm>> -> memref<32xi32, #tpu.memory_space<hbm>>
      tpu.enqueue_dma source(%dma_start3A_18 : memref<32xi32, #tpu.memory_space<hbm>>) target(%arg7 : memref<32xi32, #tpu.memory_space<vmem>>) target_semaphore(%arg8 : memref<!tpu.dma_semaphore, #tpu.memory_space<semaphore_mem>>)
      %dma_wait3A_19 = arith.constant 0 : i32
      %dma_wait3A_20 = tpu.memref_slice %arg3[%add3A, %dma_wait3A_19] : memref<16x32xi32, #tpu.memory_space<hbm>> -> memref<1x32xi32, #tpu.memory_space<hbm>>
      %dma_wait3A_21 = tpu.memref_squeeze %dma_wait3A_20 : memref<1x32xi32, #tpu.memory_space<hbm>> -> memref<32xi32, #tpu.memory_space<hbm>>
      %dma_wait3A_22 = arith.constant 0 : i32
      %dma_wait3A_23 = tpu.memref_slice %arg3[%add3A, %dma_wait3A_22] : memref<16x32xi32, #tpu.memory_space<hbm>> -> memref<1x32xi32, #tpu.memory_space<hbm>>
      %dma_wait3A_24 = tpu.memref_squeeze %dma_wait3A_23 : memref<1x32xi32, #tpu.memory_space<hbm>> -> memref<32xi32, #tpu.memory_space<hbm>>
      tpu.wait_dma2 semaphore(%arg8 : memref<!tpu.dma_semaphore, #tpu.memory_space<semaphore_mem>>) src(%dma_wait3A_24 : memref<32xi32, #tpu.memory_space<hbm>>) dst(%arg7 : memref<32xi32, #tpu.memory_space<vmem>>)
      %get3A = arith.constant 0 : index
      %get3A_25 = tpu.vector_load %arg7[%get3A] {strides = array<i32>} : memref<32xi32, #tpu.memory_space<vmem>>, vector<16xi32>,
      %get3A_26 = arith.constant 16 : index
      %get3A_27 = tpu.vector_load %arg7[%get3A_26] {strides = array<i32>} : memref<32xi32, #tpu.memory_space<vmem>>, vector<16xi32>,
      %iota3A = tpu.iota {dimensions = array<i32: 0>} : vector<16xi32>
      %scan3A = arith.constant 0 : i32
      %scan3A_28 = arith.constant 4 : i32
      %scan3A_29 = arith.addi %scan3A, %scan3A_28 : i32
      %scan3A_30 = arith.constant 1 : i32
      scf.for %scan3A_51 = %scan3A to %scan3A_29 step %scan3A_30  : i32 {
        %mul3A_52 = arith.constant 16 : i32
        %mul3A_53 = arith.muli %scan3A_51, %mul3A_52 : i32
        %add3A_54 = arith.constant 0 : i32
        %add3A_55 = arith.addi %add3A_54, %mul3A_53 : i32
        %add3A_56 = arith.constant 11468 : i32
        %add3A_57 = arith.addi %add3A_56, %add3A_55 : i32
        %add3A_58 = vector.broadcast %add3A_57 : i32 to vector<16xi32>
        %add3A_59 = arith.addi %add3A_58, %iota3A : vector<16xi32>
        %add3A_60 = vector.broadcast %add3A_55 : i32 to vector<16xi32>
        %add3A_61 = arith.addi %add3A_60, %iota3A : vector<16xi32>
        %add3A_62 = vector.broadcast %add3A_55 : i32 to vector<16xi32>
        %add3A_63 = arith.addi %add3A_62, %iota3A : vector<16xi32>
        %lt3A_64 = arith.constant 52 : i32
        %lt3A_65 = vector.broadcast %lt3A_64 : i32 to vector<16xi32>
        %lt3A_66 = arith.cmpi slt, %add3A_63, %lt3A_65 : vector<16xi32>
        tpu.vector_store_idx %arg6[%add3A_59], %add3A_61 masked %lt3A_66 : memref<11520xi32, #tpu.memory_space<vmem>>[vector<16xi32>], vector<16xi32>, vector<16xi1>
      }
      %scan3A_31 = arith.constant 4 : i32
      %broadcast_in_dim3A = arith.constant 0 : i32
      %broadcast_in_dim3A_32 = vector.broadcast %broadcast_in_dim3A : i32 to vector<16xi32>
      %scan3A_33 = arith.constant 0 : i32
      %scan3A_34 = arith.constant 1024 : i32
      %scan3A_35 = arith.addi %scan3A_33, %scan3A_34 : i32
      %scan3A_36 = arith.constant 1 : i32
      %scan3A_37:2 = scf.for %scan3A_51 = %scan3A_33 to %scan3A_35 step %scan3A_36 iter_args(%scan3A_52 = %broadcast_in_dim3A_32, %scan3A_53 = %broadcast_in_dim3A_32) -> (vector<16xi32>, vector<16xi32>)  : i32 {
        %mul3A_54 = arith.constant 16 : i32
        %mul3A_55 = arith.muli %scan3A_51, %mul3A_54 : i32
        %get3A_56 = arith.index_cast %mul3A_55 : i32 to index
        %get3A_57 = tpu.vector_load %arg5[%get3A_56] {strides = array<i32>} : memref<16384xi32, #tpu.memory_space<vmem>>, vector<16xi32>,
        %gt3A = arith.cmpi sgt, %get3A_57, %get3A_25 : vector<16xi32>
        %eq3A = arith.cmpi eq, %get3A_57, %get3A_25 : vector<16xi32>
        %convert_element_type3A_58 = arith.extui %eq3A : vector<16xi1> to vector<16xi32>
        %broadcast_in_dim3A_59 = arith.constant true
        %broadcast_in_dim3A_60 = vector.broadcast %broadcast_in_dim3A_59 : i1 to vector<16xi1>
        %masked_cumsum3A = tpu.scan <sum>, %convert_element_type3A_58 masked %broadcast_in_dim3A_60 : vector<16xi32>, vector<16xi1> -> vector<16xi32>
        %add3A_61 = arith.addi %scan3A_53, %masked_cumsum3A : vector<16xi32>
        %sub3A = arith.constant 1 : i32
        %sub3A_62 = vector.broadcast %sub3A : i32 to vector<16xi32>
        %sub3A_63 = arith.subi %add3A_61, %sub3A_62 : vector<16xi32>
        %lt3A_64 = arith.cmpi slt, %sub3A_63, %get3A_27 : vector<16xi32>
        %and3A = arith.andi %eq3A, %lt3A_64 : vector<16xi1>
        %or3A = arith.ori %gt3A, %and3A : vector<16xi1>
        %convert_element_type3A_65 = arith.extui %or3A : vector<16xi1> to vector<16xi32>
        %broadcast_in_dim3A_66 = arith.constant true
        %broadcast_in_dim3A_67 = vector.broadcast %broadcast_in_dim3A_66 : i1 to vector<16xi1>
        %masked_cumsum3A_68 = tpu.scan <sum>, %convert_element_type3A_65 masked %broadcast_in_dim3A_67 : vector<16xi32>, vector<16xi1> -> vector<16xi32>
        %add3A_69 = arith.addi %scan3A_52, %masked_cumsum3A_68 : vector<16xi32>
        %sub3A_70 = arith.constant 1 : i32
        %sub3A_71 = vector.broadcast %sub3A_70 : i32 to vector<16xi32>
        %sub3A_72 = arith.subi %add3A_69, %sub3A_71 : vector<16xi32>
        %mul3A_73 = arith.constant 16 : i32
        %mul3A_74 = arith.muli %scan3A_51, %mul3A_73 : i32
        %add3A_75 = vector.broadcast %mul3A_74 : i32 to vector<16xi32>
        %add3A_76 = arith.addi %add3A_75, %iota3A : vector<16xi32>
        tpu.vector_store_idx %arg6[%sub3A_72], %add3A_76 masked %or3A : memref<11520xi32, #tpu.memory_space<vmem>>[vector<16xi32>], vector<16xi32>, vector<16xi1>
        %convert_element_type3A_77 = arith.extui %or3A : vector<16xi1> to vector<16xi32>
        %reduce_sum3A = arith.constant true
        %reduce_sum3A_78 = vector.broadcast %reduce_sum3A : i1 to vector<16xi1>
        %reduce_sum3A_79 = tpu.scan <sum>, %convert_element_type3A_77 masked %reduce_sum3A_78 : vector<16xi32>, vector<16xi1> -> vector<16xi32>
        %reduce_sum3A_80 = vector.extract %reduce_sum3A_79[15] : i32 from vector<16xi32>
        %convert_element_type3A_81 = arith.extui %eq3A : vector<16xi1> to vector<16xi32>
        %reduce_sum3A_82 = arith.constant true
        %reduce_sum3A_83 = vector.broadcast %reduce_sum3A_82 : i1 to vector<16xi1>
        %reduce_sum3A_84 = tpu.scan <sum>, %convert_element_type3A_81 masked %reduce_sum3A_83 : vector<16xi32>, vector<16xi1> -> vector<16xi32>
        %reduce_sum3A_85 = vector.extract %reduce_sum3A_84[15] : i32 from vector<16xi32>
        %add3A_86 = vector.broadcast %reduce_sum3A_80 : i32 to vector<16xi32>
        %add3A_87 = arith.addi %scan3A_52, %add3A_86 : vector<16xi32>
        %add3A_88 = vector.broadcast %reduce_sum3A_85 : i32 to vector<16xi32>
        %add3A_89 = arith.addi %scan3A_53, %add3A_88 : vector<16xi32>
        scf.yield %add3A_87, %add3A_89 : vector<16xi32>, vector<16xi32>
      }
      %scan3A_38 = arith.constant 1024 : i32
      %dma_start3A_39 = arith.constant 0 : i32
      %dma_start3A_40 = tpu.memref_slice %arg4[%add3A, %dma_start3A_39] : memref<16x11520xi32, #tpu.memory_space<hbm>> -> memref<1x11520xi32, #tpu.memory_space<hbm>>
      %dma_start3A_41 = tpu.memref_squeeze %dma_start3A_40 : memref<1x11520xi32, #tpu.memory_space<hbm>> -> memref<11520xi32, #tpu.memory_space<hbm>>
      %dma_start3A_42 = arith.constant 0 : i32
      %dma_start3A_43 = tpu.memref_slice %arg4[%add3A, %dma_start3A_42] : memref<16x11520xi32, #tpu.memory_space<hbm>> -> memref<1x11520xi32, #tpu.memory_space<hbm>>
      %dma_start3A_44 = tpu.memref_squeeze %dma_start3A_43 : memref<1x11520xi32, #tpu.memory_space<hbm>> -> memref<11520xi32, #tpu.memory_space<hbm>>
      tpu.enqueue_dma source(%arg6 : memref<11520xi32, #tpu.memory_space<vmem>>) target(%dma_start3A_44 : memref<11520xi32, #tpu.memory_space<hbm>>) target_semaphore(%arg8 : memref<!tpu.dma_semaphore, #tpu.memory_space<semaphore_mem>>)
      %dma_wait3A_45 = arith.constant 0 : i32
      %dma_wait3A_46 = tpu.memref_slice %arg4[%add3A, %dma_wait3A_45] : memref<16x11520xi32, #tpu.memory_space<hbm>> -> memref<1x11520xi32, #tpu.memory_space<hbm>>
      %dma_wait3A_47 = tpu.memref_squeeze %dma_wait3A_46 : memref<1x11520xi32, #tpu.memory_space<hbm>> -> memref<11520xi32, #tpu.memory_space<hbm>>
      %dma_wait3A_48 = arith.constant 0 : i32
      %dma_wait3A_49 = tpu.memref_slice %arg4[%add3A, %dma_wait3A_48] : memref<16x11520xi32, #tpu.memory_space<hbm>> -> memref<1x11520xi32, #tpu.memory_space<hbm>>
      %dma_wait3A_50 = tpu.memref_squeeze %dma_wait3A_49 : memref<1x11520xi32, #tpu.memory_space<hbm>> -> memref<11520xi32, #tpu.memory_space<hbm>>
      tpu.wait_dma2 semaphore(%arg8 : memref<!tpu.dma_semaphore, #tpu.memory_space<semaphore_mem>>) src(%arg6 : memref<11520xi32, #tpu.memory_space<vmem>>) dst(%dma_wait3A_50 : memref<11520xi32, #tpu.memory_space<hbm>>)
    } else {
    }
    return
  }
}

#map = affine_map<(d0, d1) -> (0, 0)>
#map1 = affine_map<(d0, d1) -> (0)>
#map2 = affine_map<(d0, d1) -> (0, 0, 0)>
module attributes {stable_mosaic.version = 14 : i64} {
  func.func @kern(%arg0: i32, %arg1: i32, %arg2: memref<262144x128xf32, #tpu.memory_space<hbm>>, %arg3: memref<184320xi32, #tpu.memory_space<hbm>>, %arg4: memref<11468x16x128xf32, #tpu.memory_space<hbm>>, %arg5: memref<5760xi32, #tpu.memory_space<vmem>>, %arg6: memref<45x128xi32, #tpu.memory_space<vmem>>, %arg7: memref<128x128xf32, #tpu.memory_space<vmem>>, %arg8: memref<128x128xf32, #tpu.memory_space<vmem>>, %arg9: memref<128x128xf32, #tpu.memory_space<vmem>>, %arg10: memref<!tpu.dma_semaphore, #tpu.memory_space<semaphore_mem>>, %arg11: memref<!tpu.dma_semaphore, #tpu.memory_space<semaphore_mem>>, %arg12: memref<!tpu.dma_semaphore, #tpu.memory_space<semaphore_mem>>, %arg13: memref<!tpu.dma_semaphore, #tpu.memory_space<semaphore_mem>>, %arg14: memref<!tpu.dma_semaphore, #tpu.memory_space<semaphore_mem>>, %arg15: memref<!tpu.dma_semaphore, #tpu.memory_space<semaphore_mem>>) attributes {dimension_semantics = [#tpu.dimension_semantics<core_parallel>, #tpu.dimension_semantics<subcore_parallel>], iteration_bounds = array<i64: 2, 16>, scalar_prefetch = 0 : i64, scratch_operands = 11 : i64, tpu.core_type = #tpu.core_type<sc_vector_subcore>, window_params = [{transform_indices = #map}, {transform_indices = #map1}, {transform_indices = #map2}]} {
    %mul3A = arith.constant 2 : i32
    %mul3A_0 = arith.muli %arg1, %mul3A : i32
    %add3A = arith.addi %mul3A_0, %arg0 : i32
    %mul3A_1 = arith.constant 5760 : i32
    %mul3A_2 = arith.muli %add3A, %mul3A_1 : i32
    %dma_start3A = tpu.memref_slice %arg3[%mul3A_2] : memref<184320xi32, #tpu.memory_space<hbm>> -> memref<5760xi32, #tpu.memory_space<hbm>>
    %dma_start3A_3 = tpu.memref_slice %arg3[%mul3A_2] : memref<184320xi32, #tpu.memory_space<hbm>> -> memref<5760xi32, #tpu.memory_space<hbm>>
    tpu.enqueue_dma source(%dma_start3A_3 : memref<5760xi32, #tpu.memory_space<hbm>>) target(%arg5 : memref<5760xi32, #tpu.memory_space<vmem>>) target_semaphore(%arg10 : memref<!tpu.dma_semaphore, #tpu.memory_space<semaphore_mem>>)
    %dma_wait3A = tpu.memref_slice %arg3[%mul3A_2] : memref<184320xi32, #tpu.memory_space<hbm>> -> memref<5760xi32, #tpu.memory_space<hbm>>
    %dma_wait3A_4 = tpu.memref_slice %arg3[%mul3A_2] : memref<184320xi32, #tpu.memory_space<hbm>> -> memref<5760xi32, #tpu.memory_space<hbm>>
    tpu.wait_dma2 semaphore(%arg10 : memref<!tpu.dma_semaphore, #tpu.memory_space<semaphore_mem>>) src(%dma_wait3A_4 : memref<5760xi32, #tpu.memory_space<hbm>>) dst(%arg5 : memref<5760xi32, #tpu.memory_space<vmem>>)
    %mul3A_5 = arith.constant 16384 : i32
    %mul3A_6 = arith.muli %arg1, %mul3A_5 : i32
    %scan3A = arith.constant 0 : i32
    %scan3A_7 = arith.constant 45 : i32
    %scan3A_8 = arith.addi %scan3A, %scan3A_7 : i32
    %scan3A_9 = arith.constant 1 : i32
    scf.for %scan3A_37 = %scan3A to %scan3A_8 step %scan3A_9  : i32 {
      %mul3A_38 = arith.constant 1 : i32
      %mul3A_39 = arith.muli %scan3A_37, %mul3A_38 : i32
      %add3A_40 = arith.constant 0 : i32
      %add3A_41 = arith.addi %add3A_40, %mul3A_39 : i32
      %scan3A_42 = arith.constant 0 : i32
      %scan3A_43 = arith.constant 8 : i32
      %scan3A_44 = arith.addi %scan3A_42, %scan3A_43 : i32
      %scan3A_45 = arith.constant 1 : i32
      scf.for %scan3A_47 = %scan3A_42 to %scan3A_44 step %scan3A_45  : i32 {
        %mul3A_48 = arith.constant 16 : i32
        %mul3A_49 = arith.muli %scan3A_47, %mul3A_48 : i32
        %add3A_50 = arith.constant 0 : i32
        %add3A_51 = arith.addi %add3A_50, %mul3A_49 : i32
        %mul3A_52 = arith.constant 128 : i32
        %mul3A_53 = arith.muli %add3A_41, %mul3A_52 : i32
        %add3A_54 = arith.addi %mul3A_53, %add3A_51 : i32
        %get3A = arith.index_cast %add3A_54 : i32 to index
        %get3A_55 = tpu.vector_load %arg5[%get3A] {strides = array<i32>} : memref<5760xi32, #tpu.memory_space<vmem>>, vector<16xi32>,
        %add3A_56 = vector.broadcast %mul3A_6 : i32 to vector<16xi32>
        %add3A_57 = arith.addi %get3A_55, %add3A_56 : vector<16xi32>
        %swap3A = arith.index_cast %add3A_41 : i32 to index
        %swap3A_58 = arith.index_cast %add3A_51 : i32 to index
        %swap3A_59 = tpu.vector_load %arg6[%swap3A, %swap3A_58] {strides = array<i32>} : memref<45x128xi32, #tpu.memory_space<vmem>>, vector<16xi32>,
        tpu.vector_store %arg6[%swap3A, %swap3A_58], %add3A_57 {strides = array<i32>} : memref<45x128xi32, #tpu.memory_space<vmem>>, vector<16xi32>,
      }
      %scan3A_46 = arith.constant 8 : i32
    }
    %scan3A_10 = arith.constant 45 : i32
    %dma_start3A_11 = arith.constant 0 : i32
    %dma_start3A_12 = arith.constant 0 : i32
    %dma_start3A_13 = tpu.memref_slice %arg6[%dma_start3A_11, %dma_start3A_12] : memref<45x128xi32, #tpu.memory_space<vmem>> -> memref<1x128xi32, #tpu.memory_space<vmem>>
    %dma_start3A_14 = tpu.memref_squeeze %dma_start3A_13 : memref<1x128xi32, #tpu.memory_space<vmem>> -> memref<128xi32, #tpu.memory_space<vmem>>
    %dma_start3A_15 = arith.constant 0 : i32
    %dma_start3A_16 = arith.constant 0 : i32
    %dma_start3A_17 = tpu.memref_slice %arg2[%dma_start3A_15, %dma_start3A_16] : memref<262144x128xf32, #tpu.memory_space<hbm>> -> memref<262144x128xf32, #tpu.memory_space<hbm>>
    tpu.enqueue_indirect_dma source(%dma_start3A_17 : memref<262144x128xf32, #tpu.memory_space<hbm>>) target(%arg7 : memref<128x128xf32, #tpu.memory_space<vmem>>) offsets(%dma_start3A_14 : memref<128xi32, #tpu.memory_space<vmem>>) semaphore(%arg10 : memref<!tpu.dma_semaphore, #tpu.memory_space<semaphore_mem>>)
    %dma_start3A_18 = arith.constant 1 : i32
    %dma_start3A_19 = arith.constant 0 : i32
    %dma_start3A_20 = tpu.memref_slice %arg6[%dma_start3A_18, %dma_start3A_19] : memref<45x128xi32, #tpu.memory_space<vmem>> -> memref<1x128xi32, #tpu.memory_space<vmem>>
    %dma_start3A_21 = tpu.memref_squeeze %dma_start3A_20 : memref<1x128xi32, #tpu.memory_space<vmem>> -> memref<128xi32, #tpu.memory_space<vmem>>
    %dma_start3A_22 = arith.constant 0 : i32
    %dma_start3A_23 = arith.constant 0 : i32
    %dma_start3A_24 = tpu.memref_slice %arg2[%dma_start3A_22, %dma_start3A_23] : memref<262144x128xf32, #tpu.memory_space<hbm>> -> memref<262144x128xf32, #tpu.memory_space<hbm>>
    tpu.enqueue_indirect_dma source(%dma_start3A_24 : memref<262144x128xf32, #tpu.memory_space<hbm>>) target(%arg8 : memref<128x128xf32, #tpu.memory_space<vmem>>) offsets(%dma_start3A_21 : memref<128xi32, #tpu.memory_space<vmem>>) semaphore(%arg11 : memref<!tpu.dma_semaphore, #tpu.memory_space<semaphore_mem>>)
    %dma_start3A_25 = arith.constant 2 : i32
    %dma_start3A_26 = arith.constant 0 : i32
    %dma_start3A_27 = tpu.memref_slice %arg6[%dma_start3A_25, %dma_start3A_26] : memref<45x128xi32, #tpu.memory_space<vmem>> -> memref<1x128xi32, #tpu.memory_space<vmem>>
    %dma_start3A_28 = tpu.memref_squeeze %dma_start3A_27 : memref<1x128xi32, #tpu.memory_space<vmem>> -> memref<128xi32, #tpu.memory_space<vmem>>
    %dma_start3A_29 = arith.constant 0 : i32
    %dma_start3A_30 = arith.constant 0 : i32
    %dma_start3A_31 = tpu.memref_slice %arg2[%dma_start3A_29, %dma_start3A_30] : memref<262144x128xf32, #tpu.memory_space<hbm>> -> memref<262144x128xf32, #tpu.memory_space<hbm>>
    tpu.enqueue_indirect_dma source(%dma_start3A_31 : memref<262144x128xf32, #tpu.memory_space<hbm>>) target(%arg9 : memref<128x128xf32, #tpu.memory_space<vmem>>) offsets(%dma_start3A_28 : memref<128xi32, #tpu.memory_space<vmem>>) semaphore(%arg12 : memref<!tpu.dma_semaphore, #tpu.memory_space<semaphore_mem>>)
    %scan3A_32 = arith.constant 0 : i32
    %scan3A_33 = arith.constant 15 : i32
    %scan3A_34 = arith.addi %scan3A_32, %scan3A_33 : i32
    %scan3A_35 = arith.constant 1 : i32
    scf.for %scan3A_37 = %scan3A_32 to %scan3A_34 step %scan3A_35  : i32 {
      %mul3A_38 = arith.constant 3 : i32
      %mul3A_39 = arith.muli %scan3A_37, %mul3A_38 : i32
      %add3A_40 = arith.constant 0 : i32
      %add3A_41 = arith.addi %add3A_40, %mul3A_39 : i32
      %add3A_42 = arith.constant 0 : i32
      %add3A_43 = arith.addi %add3A_41, %add3A_42 : i32
      %dma_wait3A_44 = arith.constant 0 : i32
      %dma_wait3A_45 = tpu.memref_slice %arg6[%add3A_43, %dma_wait3A_44] : memref<45x128xi32, #tpu.memory_space<vmem>> -> memref<1x128xi32, #tpu.memory_space<vmem>>
      %dma_wait3A_46 = tpu.memref_squeeze %dma_wait3A_45 : memref<1x128xi32, #tpu.memory_space<vmem>> -> memref<128xi32, #tpu.memory_space<vmem>>
      %dma_wait3A_47 = arith.constant 0 : i32
      %dma_wait3A_48 = arith.constant 0 : i32
      %dma_wait3A_49 = tpu.memref_slice %arg2[%dma_wait3A_47, %dma_wait3A_48] : memref<262144x128xf32, #tpu.memory_space<hbm>> -> memref<262144x128xf32, #tpu.memory_space<hbm>>
      tpu.wait_indirect_dma semaphore(%arg10 : memref<!tpu.dma_semaphore, #tpu.memory_space<semaphore_mem>>) src(%dma_wait3A_49 : memref<262144x128xf32, #tpu.memory_space<hbm>>) dst(%arg7 : memref<128x128xf32, #tpu.memory_space<vmem>>)
      %mul3A_50 = arith.constant 45 : i32
      %mul3A_51 = arith.muli %arg0, %mul3A_50 : i32
      %add3A_52 = arith.addi %mul3A_51, %add3A_43 : i32
      %lt3A = arith.constant 89 : i32
      %lt3A_53 = arith.cmpi slt, %add3A_52, %lt3A : i32
      %convert_element_type3A = arith.extui %lt3A_53 : i1 to i32
      %cond3A = arith.constant 0 : i32
      %cond3A_54 = arith.cmpi ne, %convert_element_type3A, %cond3A : i32
      scf.if %cond3A_54 {
        %mul3A_161 = arith.constant 45 : i32
        %mul3A_162 = arith.muli %arg0, %mul3A_161 : i32
        %add3A_163 = arith.addi %mul3A_162, %add3A_43 : i32
        %mul3A_164 = arith.constant 128 : i32
        %mul3A_165 = arith.muli %add3A_163, %mul3A_164 : i32
        %dma_start3A_166 = arith.constant 0 : i32
        %dma_start3A_167 = tpu.memref_slice %arg4[%mul3A_165, %arg1, %dma_start3A_166] : memref<11468x16x128xf32, #tpu.memory_space<hbm>> -> memref<128x1x128xf32, #tpu.memory_space<hbm>>
        %dma_start3A_168 = tpu.memref_squeeze %dma_start3A_167 : memref<128x1x128xf32, #tpu.memory_space<hbm>> -> memref<128x128xf32, #tpu.memory_space<hbm>>
        %dma_start3A_169 = arith.constant 0 : i32
        %dma_start3A_170 = tpu.memref_slice %arg4[%mul3A_165, %arg1, %dma_start3A_169] : memref<11468x16x128xf32, #tpu.memory_space<hbm>> -> memref<128x1x128xf32, #tpu.memory_space<hbm>>
        %dma_start3A_171 = tpu.memref_squeeze %dma_start3A_170 : memref<128x1x128xf32, #tpu.memory_space<hbm>> -> memref<128x128xf32, #tpu.memory_space<hbm>>
        tpu.enqueue_dma source(%arg7 : memref<128x128xf32, #tpu.memory_space<vmem>>) target(%dma_start3A_171 : memref<128x128xf32, #tpu.memory_space<hbm>>) target_semaphore(%arg13 : memref<!tpu.dma_semaphore, #tpu.memory_space<semaphore_mem>>)
      } else {
      }
      %eq3A = arith.constant 89 : i32
      %eq3A_55 = arith.cmpi eq, %add3A_52, %eq3A : i32
      %convert_element_type3A_56 = arith.extui %eq3A_55 : i1 to i32
      %cond3A_57 = arith.constant 0 : i32
      %cond3A_58 = arith.cmpi ne, %convert_element_type3A_56, %cond3A_57 : i32
      scf.if %cond3A_58 {
        %dma_start3A_161 = arith.constant 0 : i32
        %dma_start3A_162 = arith.constant 0 : i32
        %dma_start3A_163 = tpu.memref_slice %arg7[%dma_start3A_161, %dma_start3A_162] : memref<128x128xf32, #tpu.memory_space<vmem>> -> memref<76x128xf32, #tpu.memory_space<vmem>>
        %dma_start3A_164 = arith.constant 11392 : i32
        %dma_start3A_165 = arith.constant 0 : i32
        %dma_start3A_166 = tpu.memref_slice %arg4[%dma_start3A_164, %arg1, %dma_start3A_165] : memref<11468x16x128xf32, #tpu.memory_space<hbm>> -> memref<76x1x128xf32, #tpu.memory_space<hbm>>
        %dma_start3A_167 = tpu.memref_squeeze %dma_start3A_166 : memref<76x1x128xf32, #tpu.memory_space<hbm>> -> memref<76x128xf32, #tpu.memory_space<hbm>>
        %dma_start3A_168 = arith.constant 11392 : i32
        %dma_start3A_169 = arith.constant 0 : i32
        %dma_start3A_170 = tpu.memref_slice %arg4[%dma_start3A_168, %arg1, %dma_start3A_169] : memref<11468x16x128xf32, #tpu.memory_space<hbm>> -> memref<76x1x128xf32, #tpu.memory_space<hbm>>
        %dma_start3A_171 = tpu.memref_squeeze %dma_start3A_170 : memref<76x1x128xf32, #tpu.memory_space<hbm>> -> memref<76x128xf32, #tpu.memory_space<hbm>>
        %dma_start3A_172 = arith.constant 0 : i32
        %dma_start3A_173 = arith.constant 0 : i32
        %dma_start3A_174 = tpu.memref_slice %arg7[%dma_start3A_172, %dma_start3A_173] : memref<128x128xf32, #tpu.memory_space<vmem>> -> memref<76x128xf32, #tpu.memory_space<vmem>>
        tpu.enqueue_dma source(%dma_start3A_174 : memref<76x128xf32, #tpu.memory_space<vmem>>) target(%dma_start3A_171 : memref<76x128xf32, #tpu.memory_space<hbm>>) target_semaphore(%arg13 : memref<!tpu.dma_semaphore, #tpu.memory_space<semaphore_mem>>)
      } else {
      }
      %mul3A_59 = arith.constant 45 : i32
      %mul3A_60 = arith.muli %arg0, %mul3A_59 : i32
      %add3A_61 = arith.addi %mul3A_60, %add3A_43 : i32
      %lt3A_62 = arith.constant 89 : i32
      %lt3A_63 = arith.cmpi slt, %add3A_61, %lt3A_62 : i32
      %convert_element_type3A_64 = arith.extui %lt3A_63 : i1 to i32
      %cond3A_65 = arith.constant 0 : i32
      %cond3A_66 = arith.cmpi ne, %convert_element_type3A_64, %cond3A_65 : i32
      scf.if %cond3A_66 {
        %mul3A_161 = arith.constant 45 : i32
        %mul3A_162 = arith.muli %arg0, %mul3A_161 : i32
        %add3A_163 = arith.addi %mul3A_162, %add3A_43 : i32
        %mul3A_164 = arith.constant 128 : i32
        %mul3A_165 = arith.muli %add3A_163, %mul3A_164 : i32
        %dma_wait3A_166 = arith.constant 0 : i32
        %dma_wait3A_167 = tpu.memref_slice %arg4[%mul3A_165, %arg1, %dma_wait3A_166] : memref<11468x16x128xf32, #tpu.memory_space<hbm>> -> memref<128x1x128xf32, #tpu.memory_space<hbm>>
        %dma_wait3A_168 = tpu.memref_squeeze %dma_wait3A_167 : memref<128x1x128xf32, #tpu.memory_space<hbm>> -> memref<128x128xf32, #tpu.memory_space<hbm>>
        %dma_wait3A_169 = arith.constant 0 : i32
        %dma_wait3A_170 = tpu.memref_slice %arg4[%mul3A_165, %arg1, %dma_wait3A_169] : memref<11468x16x128xf32, #tpu.memory_space<hbm>> -> memref<128x1x128xf32, #tpu.memory_space<hbm>>
        %dma_wait3A_171 = tpu.memref_squeeze %dma_wait3A_170 : memref<128x1x128xf32, #tpu.memory_space<hbm>> -> memref<128x128xf32, #tpu.memory_space<hbm>>
        tpu.wait_dma2 semaphore(%arg13 : memref<!tpu.dma_semaphore, #tpu.memory_space<semaphore_mem>>) src(%arg7 : memref<128x128xf32, #tpu.memory_space<vmem>>) dst(%dma_wait3A_171 : memref<128x128xf32, #tpu.memory_space<hbm>>)
      } else {
      }
      %eq3A_67 = arith.constant 89 : i32
      %eq3A_68 = arith.cmpi eq, %add3A_61, %eq3A_67 : i32
      %convert_element_type3A_69 = arith.extui %eq3A_68 : i1 to i32
      %cond3A_70 = arith.constant 0 : i32
      %cond3A_71 = arith.cmpi ne, %convert_element_type3A_69, %cond3A_70 : i32
      scf.if %cond3A_71 {
        %dma_wait3A_161 = arith.constant 0 : i32
        %dma_wait3A_162 = arith.constant 0 : i32
        %dma_wait3A_163 = tpu.memref_slice %arg7[%dma_wait3A_161, %dma_wait3A_162] : memref<128x128xf32, #tpu.memory_space<vmem>> -> memref<76x128xf32, #tpu.memory_space<vmem>>
        %dma_wait3A_164 = arith.constant 11392 : i32
        %dma_wait3A_165 = arith.constant 0 : i32
        %dma_wait3A_166 = tpu.memref_slice %arg4[%dma_wait3A_164, %arg1, %dma_wait3A_165] : memref<11468x16x128xf32, #tpu.memory_space<hbm>> -> memref<76x1x128xf32, #tpu.memory_space<hbm>>
        %dma_wait3A_167 = tpu.memref_squeeze %dma_wait3A_166 : memref<76x1x128xf32, #tpu.memory_space<hbm>> -> memref<76x128xf32, #tpu.memory_space<hbm>>
        %dma_wait3A_168 = arith.constant 11392 : i32
        %dma_wait3A_169 = arith.constant 0 : i32
        %dma_wait3A_170 = tpu.memref_slice %arg4[%dma_wait3A_168, %arg1, %dma_wait3A_169] : memref<11468x16x128xf32, #tpu.memory_space<hbm>> -> memref<76x1x128xf32, #tpu.memory_space<hbm>>
        %dma_wait3A_171 = tpu.memref_squeeze %dma_wait3A_170 : memref<76x1x128xf32, #tpu.memory_space<hbm>> -> memref<76x128xf32, #tpu.memory_space<hbm>>
        %dma_wait3A_172 = arith.constant 0 : i32
        %dma_wait3A_173 = arith.constant 0 : i32
        %dma_wait3A_174 = tpu.memref_slice %arg7[%dma_wait3A_172, %dma_wait3A_173] : memref<128x128xf32, #tpu.memory_space<vmem>> -> memref<76x128xf32, #tpu.memory_space<vmem>>
        tpu.wait_dma2 semaphore(%arg13 : memref<!tpu.dma_semaphore, #tpu.memory_space<semaphore_mem>>) src(%dma_wait3A_174 : memref<76x128xf32, #tpu.memory_space<vmem>>) dst(%dma_wait3A_171 : memref<76x128xf32, #tpu.memory_space<hbm>>)
      } else {
      }
      %add3A_72 = arith.constant 3 : i32
      %add3A_73 = arith.addi %add3A_43, %add3A_72 : i32
      %lt3A_74 = arith.constant 45 : i32
      %lt3A_75 = arith.cmpi slt, %add3A_73, %lt3A_74 : i32
      %convert_element_type3A_76 = arith.extui %lt3A_75 : i1 to i32
      %cond3A_77 = arith.constant 0 : i32
      %cond3A_78 = arith.cmpi ne, %convert_element_type3A_76, %cond3A_77 : i32
      scf.if %cond3A_78 {
        %add3A_161 = arith.constant 3 : i32
        %add3A_162 = arith.addi %add3A_43, %add3A_161 : i32
        %dma_start3A_163 = arith.constant 0 : i32
        %dma_start3A_164 = tpu.memref_slice %arg6[%add3A_162, %dma_start3A_163] : memref<45x128xi32, #tpu.memory_space<vmem>> -> memref<1x128xi32, #tpu.memory_space<vmem>>
        %dma_start3A_165 = tpu.memref_squeeze %dma_start3A_164 : memref<1x128xi32, #tpu.memory_space<vmem>> -> memref<128xi32, #tpu.memory_space<vmem>>
        %dma_start3A_166 = arith.constant 0 : i32
        %dma_start3A_167 = arith.constant 0 : i32
        %dma_start3A_168 = tpu.memref_slice %arg2[%dma_start3A_166, %dma_start3A_167] : memref<262144x128xf32, #tpu.memory_space<hbm>> -> memref<262144x128xf32, #tpu.memory_space<hbm>>
        tpu.enqueue_indirect_dma source(%dma_start3A_168 : memref<262144x128xf32, #tpu.memory_space<hbm>>) target(%arg7 : memref<128x128xf32, #tpu.memory_space<vmem>>) offsets(%dma_start3A_165 : memref<128xi32, #tpu.memory_space<vmem>>) semaphore(%arg10 : memref<!tpu.dma_semaphore, #tpu.memory_space<semaphore_mem>>)
      } else {
      }
      %add3A_79 = arith.constant 1 : i32
      %add3A_80 = arith.addi %add3A_41, %add3A_79 : i32
      %dma_wait3A_81 = arith.constant 0 : i32
      %dma_wait3A_82 = tpu.memref_slice %arg6[%add3A_80, %dma_wait3A_81] : memref<45x128xi32, #tpu.memory_space<vmem>> -> memref<1x128xi32, #tpu.memory_space<vmem>>
      %dma_wait3A_83 = tpu.memref_squeeze %dma_wait3A_82 : memref<1x128xi32, #tpu.memory_space<vmem>> -> memref<128xi32, #tpu.memory_space<vmem>>
      %dma_wait3A_84 = arith.constant 0 : i32
      %dma_wait3A_85 = arith.constant 0 : i32
      %dma_wait3A_86 = tpu.memref_slice %arg2[%dma_wait3A_84, %dma_wait3A_85] : memref<262144x128xf32, #tpu.memory_space<hbm>> -> memref<262144x128xf32, #tpu.memory_space<hbm>>
      tpu.wait_indirect_dma semaphore(%arg11 : memref<!tpu.dma_semaphore, #tpu.memory_space<semaphore_mem>>) src(%dma_wait3A_86 : memref<262144x128xf32, #tpu.memory_space<hbm>>) dst(%arg8 : memref<128x128xf32, #tpu.memory_space<vmem>>)
      %mul3A_87 = arith.constant 45 : i32
      %mul3A_88 = arith.muli %arg0, %mul3A_87 : i32
      %add3A_89 = arith.addi %mul3A_88, %add3A_80 : i32
      %lt3A_90 = arith.constant 89 : i32
      %lt3A_91 = arith.cmpi slt, %add3A_89, %lt3A_90 : i32
      %convert_element_type3A_92 = arith.extui %lt3A_91 : i1 to i32
      %cond3A_93 = arith.constant 0 : i32
      %cond3A_94 = arith.cmpi ne, %convert_element_type3A_92, %cond3A_93 : i32
      scf.if %cond3A_94 {
        %mul3A_161 = arith.constant 45 : i32
        %mul3A_162 = arith.muli %arg0, %mul3A_161 : i32
        %add3A_163 = arith.addi %mul3A_162, %add3A_80 : i32
        %mul3A_164 = arith.constant 128 : i32
        %mul3A_165 = arith.muli %add3A_163, %mul3A_164 : i32
        %dma_start3A_166 = arith.constant 0 : i32
        %dma_start3A_167 = tpu.memref_slice %arg4[%mul3A_165, %arg1, %dma_start3A_166] : memref<11468x16x128xf32, #tpu.memory_space<hbm>> -> memref<128x1x128xf32, #tpu.memory_space<hbm>>
        %dma_start3A_168 = tpu.memref_squeeze %dma_start3A_167 : memref<128x1x128xf32, #tpu.memory_space<hbm>> -> memref<128x128xf32, #tpu.memory_space<hbm>>
        %dma_start3A_169 = arith.constant 0 : i32
        %dma_start3A_170 = tpu.memref_slice %arg4[%mul3A_165, %arg1, %dma_start3A_169] : memref<11468x16x128xf32, #tpu.memory_space<hbm>> -> memref<128x1x128xf32, #tpu.memory_space<hbm>>
        %dma_start3A_171 = tpu.memref_squeeze %dma_start3A_170 : memref<128x1x128xf32, #tpu.memory_space<hbm>> -> memref<128x128xf32, #tpu.memory_space<hbm>>
        tpu.enqueue_dma source(%arg8 : memref<128x128xf32, #tpu.memory_space<vmem>>) target(%dma_start3A_171 : memref<128x128xf32, #tpu.memory_space<hbm>>) target_semaphore(%arg14 : memref<!tpu.dma_semaphore, #tpu.memory_space<semaphore_mem>>)
      } else {
      }
      %eq3A_95 = arith.constant 89 : i32
      %eq3A_96 = arith.cmpi eq, %add3A_89, %eq3A_95 : i32
      %convert_element_type3A_97 = arith.extui %eq3A_96 : i1 to i32
      %cond3A_98 = arith.constant 0 : i32
      %cond3A_99 = arith.cmpi ne, %convert_element_type3A_97, %cond3A_98 : i32
      scf.if %cond3A_99 {
        %dma_start3A_161 = arith.constant 0 : i32
        %dma_start3A_162 = arith.constant 0 : i32
        %dma_start3A_163 = tpu.memref_slice %arg8[%dma_start3A_161, %dma_start3A_162] : memref<128x128xf32, #tpu.memory_space<vmem>> -> memref<76x128xf32, #tpu.memory_space<vmem>>
        %dma_start3A_164 = arith.constant 11392 : i32
        %dma_start3A_165 = arith.constant 0 : i32
        %dma_start3A_166 = tpu.memref_slice %arg4[%dma_start3A_164, %arg1, %dma_start3A_165] : memref<11468x16x128xf32, #tpu.memory_space<hbm>> -> memref<76x1x128xf32, #tpu.memory_space<hbm>>
        %dma_start3A_167 = tpu.memref_squeeze %dma_start3A_166 : memref<76x1x128xf32, #tpu.memory_space<hbm>> -> memref<76x128xf32, #tpu.memory_space<hbm>>
        %dma_start3A_168 = arith.constant 11392 : i32
        %dma_start3A_169 = arith.constant 0 : i32
        %dma_start3A_170 = tpu.memref_slice %arg4[%dma_start3A_168, %arg1, %dma_start3A_169] : memref<11468x16x128xf32, #tpu.memory_space<hbm>> -> memref<76x1x128xf32, #tpu.memory_space<hbm>>
        %dma_start3A_171 = tpu.memref_squeeze %dma_start3A_170 : memref<76x1x128xf32, #tpu.memory_space<hbm>> -> memref<76x128xf32, #tpu.memory_space<hbm>>
        %dma_start3A_172 = arith.constant 0 : i32
        %dma_start3A_173 = arith.constant 0 : i32
        %dma_start3A_174 = tpu.memref_slice %arg8[%dma_start3A_172, %dma_start3A_173] : memref<128x128xf32, #tpu.memory_space<vmem>> -> memref<76x128xf32, #tpu.memory_space<vmem>>
        tpu.enqueue_dma source(%dma_start3A_174 : memref<76x128xf32, #tpu.memory_space<vmem>>) target(%dma_start3A_171 : memref<76x128xf32, #tpu.memory_space<hbm>>) target_semaphore(%arg14 : memref<!tpu.dma_semaphore, #tpu.memory_space<semaphore_mem>>)
      } else {
      }
      %mul3A_100 = arith.constant 45 : i32
      %mul3A_101 = arith.muli %arg0, %mul3A_100 : i32
      %add3A_102 = arith.addi %mul3A_101, %add3A_80 : i32
      %lt3A_103 = arith.constant 89 : i32
      %lt3A_104 = arith.cmpi slt, %add3A_102, %lt3A_103 : i32
      %convert_element_type3A_105 = arith.extui %lt3A_104 : i1 to i32
      %cond3A_106 = arith.constant 0 : i32
      %cond3A_107 = arith.cmpi ne, %convert_element_type3A_105, %cond3A_106 : i32
      scf.if %cond3A_107 {
        %mul3A_161 = arith.constant 45 : i32
        %mul3A_162 = arith.muli %arg0, %mul3A_161 : i32
        %add3A_163 = arith.addi %mul3A_162, %add3A_80 : i32
        %mul3A_164 = arith.constant 128 : i32
        %mul3A_165 = arith.muli %add3A_163, %mul3A_164 : i32
        %dma_wait3A_166 = arith.constant 0 : i32
        %dma_wait3A_167 = tpu.memref_slice %arg4[%mul3A_165, %arg1, %dma_wait3A_166] : memref<11468x16x128xf32, #tpu.memory_space<hbm>> -> memref<128x1x128xf32, #tpu.memory_space<hbm>>
        %dma_wait3A_168 = tpu.memref_squeeze %dma_wait3A_167 : memref<128x1x128xf32, #tpu.memory_space<hbm>> -> memref<128x128xf32, #tpu.memory_space<hbm>>
        %dma_wait3A_169 = arith.constant 0 : i32
        %dma_wait3A_170 = tpu.memref_slice %arg4[%mul3A_165, %arg1, %dma_wait3A_169] : memref<11468x16x128xf32, #tpu.memory_space<hbm>> -> memref<128x1x128xf32, #tpu.memory_space<hbm>>
        %dma_wait3A_171 = tpu.memref_squeeze %dma_wait3A_170 : memref<128x1x128xf32, #tpu.memory_space<hbm>> -> memref<128x128xf32, #tpu.memory_space<hbm>>
        tpu.wait_dma2 semaphore(%arg14 : memref<!tpu.dma_semaphore, #tpu.memory_space<semaphore_mem>>) src(%arg8 : memref<128x128xf32, #tpu.memory_space<vmem>>) dst(%dma_wait3A_171 : memref<128x128xf32, #tpu.memory_space<hbm>>)
      } else {
      }
      %eq3A_108 = arith.constant 89 : i32
      %eq3A_109 = arith.cmpi eq, %add3A_102, %eq3A_108 : i32
      %convert_element_type3A_110 = arith.extui %eq3A_109 : i1 to i32
      %cond3A_111 = arith.constant 0 : i32
      %cond3A_112 = arith.cmpi ne, %convert_element_type3A_110, %cond3A_111 : i32
      scf.if %cond3A_112 {
        %dma_wait3A_161 = arith.constant 0 : i32
        %dma_wait3A_162 = arith.constant 0 : i32
        %dma_wait3A_163 = tpu.memref_slice %arg8[%dma_wait3A_161, %dma_wait3A_162] : memref<128x128xf32, #tpu.memory_space<vmem>> -> memref<76x128xf32, #tpu.memory_space<vmem>>
        %dma_wait3A_164 = arith.constant 11392 : i32
        %dma_wait3A_165 = arith.constant 0 : i32
        %dma_wait3A_166 = tpu.memref_slice %arg4[%dma_wait3A_164, %arg1, %dma_wait3A_165] : memref<11468x16x128xf32, #tpu.memory_space<hbm>> -> memref<76x1x128xf32, #tpu.memory_space<hbm>>
        %dma_wait3A_167 = tpu.memref_squeeze %dma_wait3A_166 : memref<76x1x128xf32, #tpu.memory_space<hbm>> -> memref<76x128xf32, #tpu.memory_space<hbm>>
        %dma_wait3A_168 = arith.constant 11392 : i32
        %dma_wait3A_169 = arith.constant 0 : i32
        %dma_wait3A_170 = tpu.memref_slice %arg4[%dma_wait3A_168, %arg1, %dma_wait3A_169] : memref<11468x16x128xf32, #tpu.memory_space<hbm>> -> memref<76x1x128xf32, #tpu.memory_space<hbm>>
        %dma_wait3A_171 = tpu.memref_squeeze %dma_wait3A_170 : memref<76x1x128xf32, #tpu.memory_space<hbm>> -> memref<76x128xf32, #tpu.memory_space<hbm>>
        %dma_wait3A_172 = arith.constant 0 : i32
        %dma_wait3A_173 = arith.constant 0 : i32
        %dma_wait3A_174 = tpu.memref_slice %arg8[%dma_wait3A_172, %dma_wait3A_173] : memref<128x128xf32, #tpu.memory_space<vmem>> -> memref<76x128xf32, #tpu.memory_space<vmem>>
        tpu.wait_dma2 semaphore(%arg14 : memref<!tpu.dma_semaphore, #tpu.memory_space<semaphore_mem>>) src(%dma_wait3A_174 : memref<76x128xf32, #tpu.memory_space<vmem>>) dst(%dma_wait3A_171 : memref<76x128xf32, #tpu.memory_space<hbm>>)
      } else {
      }
      %add3A_113 = arith.constant 3 : i32
      %add3A_114 = arith.addi %add3A_80, %add3A_113 : i32
      %lt3A_115 = arith.constant 45 : i32
      %lt3A_116 = arith.cmpi slt, %add3A_114, %lt3A_115 : i32
      %convert_element_type3A_117 = arith.extui %lt3A_116 : i1 to i32
      %cond3A_118 = arith.constant 0 : i32
      %cond3A_119 = arith.cmpi ne, %convert_element_type3A_117, %cond3A_118 : i32
      scf.if %cond3A_119 {
        %add3A_161 = arith.constant 3 : i32
        %add3A_162 = arith.addi %add3A_80, %add3A_161 : i32
        %dma_start3A_163 = arith.constant 0 : i32
        %dma_start3A_164 = tpu.memref_slice %arg6[%add3A_162, %dma_start3A_163] : memref<45x128xi32, #tpu.memory_space<vmem>> -> memref<1x128xi32, #tpu.memory_space<vmem>>
        %dma_start3A_165 = tpu.memref_squeeze %dma_start3A_164 : memref<1x128xi32, #tpu.memory_space<vmem>> -> memref<128xi32, #tpu.memory_space<vmem>>
        %dma_start3A_166 = arith.constant 0 : i32
        %dma_start3A_167 = arith.constant 0 : i32
        %dma_start3A_168 = tpu.memref_slice %arg2[%dma_start3A_166, %dma_start3A_167] : memref<262144x128xf32, #tpu.memory_space<hbm>> -> memref<262144x128xf32, #tpu.memory_space<hbm>>
        tpu.enqueue_indirect_dma source(%dma_start3A_168 : memref<262144x128xf32, #tpu.memory_space<hbm>>) target(%arg8 : memref<128x128xf32, #tpu.memory_space<vmem>>) offsets(%dma_start3A_165 : memref<128xi32, #tpu.memory_space<vmem>>) semaphore(%arg11 : memref<!tpu.dma_semaphore, #tpu.memory_space<semaphore_mem>>)
      } else {
      }
      %add3A_120 = arith.constant 2 : i32
      %add3A_121 = arith.addi %add3A_41, %add3A_120 : i32
      %dma_wait3A_122 = arith.constant 0 : i32
      %dma_wait3A_123 = tpu.memref_slice %arg6[%add3A_121, %dma_wait3A_122] : memref<45x128xi32, #tpu.memory_space<vmem>> -> memref<1x128xi32, #tpu.memory_space<vmem>>
      %dma_wait3A_124 = tpu.memref_squeeze %dma_wait3A_123 : memref<1x128xi32, #tpu.memory_space<vmem>> -> memref<128xi32, #tpu.memory_space<vmem>>
      %dma_wait3A_125 = arith.constant 0 : i32
      %dma_wait3A_126 = arith.constant 0 : i32
      %dma_wait3A_127 = tpu.memref_slice %arg2[%dma_wait3A_125, %dma_wait3A_126] : memref<262144x128xf32, #tpu.memory_space<hbm>> -> memref<262144x128xf32, #tpu.memory_space<hbm>>
      tpu.wait_indirect_dma semaphore(%arg12 : memref<!tpu.dma_semaphore, #tpu.memory_space<semaphore_mem>>) src(%dma_wait3A_127 : memref<262144x128xf32, #tpu.memory_space<hbm>>) dst(%arg9 : memref<128x128xf32, #tpu.memory_space<vmem>>)
      %mul3A_128 = arith.constant 45 : i32
      %mul3A_129 = arith.muli %arg0, %mul3A_128 : i32
      %add3A_130 = arith.addi %mul3A_129, %add3A_121 : i32
      %lt3A_131 = arith.constant 89 : i32
      %lt3A_132 = arith.cmpi slt, %add3A_130, %lt3A_131 : i32
      %convert_element_type3A_133 = arith.extui %lt3A_132 : i1 to i32
      %cond3A_134 = arith.constant 0 : i32
      %cond3A_135 = arith.cmpi ne, %convert_element_type3A_133, %cond3A_134 : i32
      scf.if %cond3A_135 {
        %mul3A_161 = arith.constant 45 : i32
        %mul3A_162 = arith.muli %arg0, %mul3A_161 : i32
        %add3A_163 = arith.addi %mul3A_162, %add3A_121 : i32
        %mul3A_164 = arith.constant 128 : i32
        %mul3A_165 = arith.muli %add3A_163, %mul3A_164 : i32
        %dma_start3A_166 = arith.constant 0 : i32
        %dma_start3A_167 = tpu.memref_slice %arg4[%mul3A_165, %arg1, %dma_start3A_166] : memref<11468x16x128xf32, #tpu.memory_space<hbm>> -> memref<128x1x128xf32, #tpu.memory_space<hbm>>
        %dma_start3A_168 = tpu.memref_squeeze %dma_start3A_167 : memref<128x1x128xf32, #tpu.memory_space<hbm>> -> memref<128x128xf32, #tpu.memory_space<hbm>>
        %dma_start3A_169 = arith.constant 0 : i32
        %dma_start3A_170 = tpu.memref_slice %arg4[%mul3A_165, %arg1, %dma_start3A_169] : memref<11468x16x128xf32, #tpu.memory_space<hbm>> -> memref<128x1x128xf32, #tpu.memory_space<hbm>>
        %dma_start3A_171 = tpu.memref_squeeze %dma_start3A_170 : memref<128x1x128xf32, #tpu.memory_space<hbm>> -> memref<128x128xf32, #tpu.memory_space<hbm>>
        tpu.enqueue_dma source(%arg9 : memref<128x128xf32, #tpu.memory_space<vmem>>) target(%dma_start3A_171 : memref<128x128xf32, #tpu.memory_space<hbm>>) target_semaphore(%arg15 : memref<!tpu.dma_semaphore, #tpu.memory_space<semaphore_mem>>)
      } else {
      }
      %eq3A_136 = arith.constant 89 : i32
      %eq3A_137 = arith.cmpi eq, %add3A_130, %eq3A_136 : i32
      %convert_element_type3A_138 = arith.extui %eq3A_137 : i1 to i32
      %cond3A_139 = arith.constant 0 : i32
      %cond3A_140 = arith.cmpi ne, %convert_element_type3A_138, %cond3A_139 : i32
      scf.if %cond3A_140 {
        %dma_start3A_161 = arith.constant 0 : i32
        %dma_start3A_162 = arith.constant 0 : i32
        %dma_start3A_163 = tpu.memref_slice %arg9[%dma_start3A_161, %dma_start3A_162] : memref<128x128xf32, #tpu.memory_space<vmem>> -> memref<76x128xf32, #tpu.memory_space<vmem>>
        %dma_start3A_164 = arith.constant 11392 : i32
        %dma_start3A_165 = arith.constant 0 : i32
        %dma_start3A_166 = tpu.memref_slice %arg4[%dma_start3A_164, %arg1, %dma_start3A_165] : memref<11468x16x128xf32, #tpu.memory_space<hbm>> -> memref<76x1x128xf32, #tpu.memory_space<hbm>>
        %dma_start3A_167 = tpu.memref_squeeze %dma_start3A_166 : memref<76x1x128xf32, #tpu.memory_space<hbm>> -> memref<76x128xf32, #tpu.memory_space<hbm>>
        %dma_start3A_168 = arith.constant 11392 : i32
        %dma_start3A_169 = arith.constant 0 : i32
        %dma_start3A_170 = tpu.memref_slice %arg4[%dma_start3A_168, %arg1, %dma_start3A_169] : memref<11468x16x128xf32, #tpu.memory_space<hbm>> -> memref<76x1x128xf32, #tpu.memory_space<hbm>>
        %dma_start3A_171 = tpu.memref_squeeze %dma_start3A_170 : memref<76x1x128xf32, #tpu.memory_space<hbm>> -> memref<76x128xf32, #tpu.memory_space<hbm>>
        %dma_start3A_172 = arith.constant 0 : i32
        %dma_start3A_173 = arith.constant 0 : i32
        %dma_start3A_174 = tpu.memref_slice %arg9[%dma_start3A_172, %dma_start3A_173] : memref<128x128xf32, #tpu.memory_space<vmem>> -> memref<76x128xf32, #tpu.memory_space<vmem>>
        tpu.enqueue_dma source(%dma_start3A_174 : memref<76x128xf32, #tpu.memory_space<vmem>>) target(%dma_start3A_171 : memref<76x128xf32, #tpu.memory_space<hbm>>) target_semaphore(%arg15 : memref<!tpu.dma_semaphore, #tpu.memory_space<semaphore_mem>>)
      } else {
      }
      %mul3A_141 = arith.constant 45 : i32
      %mul3A_142 = arith.muli %arg0, %mul3A_141 : i32
      %add3A_143 = arith.addi %mul3A_142, %add3A_121 : i32
      %lt3A_144 = arith.constant 89 : i32
      %lt3A_145 = arith.cmpi slt, %add3A_143, %lt3A_144 : i32
      %convert_element_type3A_146 = arith.extui %lt3A_145 : i1 to i32
      %cond3A_147 = arith.constant 0 : i32
      %cond3A_148 = arith.cmpi ne, %convert_element_type3A_146, %cond3A_147 : i32
      scf.if %cond3A_148 {
        %mul3A_161 = arith.constant 45 : i32
        %mul3A_162 = arith.muli %arg0, %mul3A_161 : i32
        %add3A_163 = arith.addi %mul3A_162, %add3A_121 : i32
        %mul3A_164 = arith.constant 128 : i32
        %mul3A_165 = arith.muli %add3A_163, %mul3A_164 : i32
        %dma_wait3A_166 = arith.constant 0 : i32
        %dma_wait3A_167 = tpu.memref_slice %arg4[%mul3A_165, %arg1, %dma_wait3A_166] : memref<11468x16x128xf32, #tpu.memory_space<hbm>> -> memref<128x1x128xf32, #tpu.memory_space<hbm>>
        %dma_wait3A_168 = tpu.memref_squeeze %dma_wait3A_167 : memref<128x1x128xf32, #tpu.memory_space<hbm>> -> memref<128x128xf32, #tpu.memory_space<hbm>>
        %dma_wait3A_169 = arith.constant 0 : i32
        %dma_wait3A_170 = tpu.memref_slice %arg4[%mul3A_165, %arg1, %dma_wait3A_169] : memref<11468x16x128xf32, #tpu.memory_space<hbm>> -> memref<128x1x128xf32, #tpu.memory_space<hbm>>
        %dma_wait3A_171 = tpu.memref_squeeze %dma_wait3A_170 : memref<128x1x128xf32, #tpu.memory_space<hbm>> -> memref<128x128xf32, #tpu.memory_space<hbm>>
        tpu.wait_dma2 semaphore(%arg15 : memref<!tpu.dma_semaphore, #tpu.memory_space<semaphore_mem>>) src(%arg9 : memref<128x128xf32, #tpu.memory_space<vmem>>) dst(%dma_wait3A_171 : memref<128x128xf32, #tpu.memory_space<hbm>>)
      } else {
      }
      %eq3A_149 = arith.constant 89 : i32
      %eq3A_150 = arith.cmpi eq, %add3A_143, %eq3A_149 : i32
      %convert_element_type3A_151 = arith.extui %eq3A_150 : i1 to i32
      %cond3A_152 = arith.constant 0 : i32
      %cond3A_153 = arith.cmpi ne, %convert_element_type3A_151, %cond3A_152 : i32
      scf.if %cond3A_153 {
        %dma_wait3A_161 = arith.constant 0 : i32
        %dma_wait3A_162 = arith.constant 0 : i32
        %dma_wait3A_163 = tpu.memref_slice %arg9[%dma_wait3A_161, %dma_wait3A_162] : memref<128x128xf32, #tpu.memory_space<vmem>> -> memref<76x128xf32, #tpu.memory_space<vmem>>
        %dma_wait3A_164 = arith.constant 11392 : i32
        %dma_wait3A_165 = arith.constant 0 : i32
        %dma_wait3A_166 = tpu.memref_slice %arg4[%dma_wait3A_164, %arg1, %dma_wait3A_165] : memref<11468x16x128xf32, #tpu.memory_space<hbm>> -> memref<76x1x128xf32, #tpu.memory_space<hbm>>
        %dma_wait3A_167 = tpu.memref_squeeze %dma_wait3A_166 : memref<76x1x128xf32, #tpu.memory_space<hbm>> -> memref<76x128xf32, #tpu.memory_space<hbm>>
        %dma_wait3A_168 = arith.constant 11392 : i32
        %dma_wait3A_169 = arith.constant 0 : i32
        %dma_wait3A_170 = tpu.memref_slice %arg4[%dma_wait3A_168, %arg1, %dma_wait3A_169] : memref<11468x16x128xf32, #tpu.memory_space<hbm>> -> memref<76x1x128xf32, #tpu.memory_space<hbm>>
        %dma_wait3A_171 = tpu.memref_squeeze %dma_wait3A_170 : memref<76x1x128xf32, #tpu.memory_space<hbm>> -> memref<76x128xf32, #tpu.memory_space<hbm>>
        %dma_wait3A_172 = arith.constant 0 : i32
        %dma_wait3A_173 = arith.constant 0 : i32
        %dma_wait3A_174 = tpu.memref_slice %arg9[%dma_wait3A_172, %dma_wait3A_173] : memref<128x128xf32, #tpu.memory_space<vmem>> -> memref<76x128xf32, #tpu.memory_space<vmem>>
        tpu.wait_dma2 semaphore(%arg15 : memref<!tpu.dma_semaphore, #tpu.memory_space<semaphore_mem>>) src(%dma_wait3A_174 : memref<76x128xf32, #tpu.memory_space<vmem>>) dst(%dma_wait3A_171 : memref<76x128xf32, #tpu.memory_space<hbm>>)
      } else {
      }
      %add3A_154 = arith.constant 3 : i32
      %add3A_155 = arith.addi %add3A_121, %add3A_154 : i32
      %lt3A_156 = arith.constant 45 : i32
      %lt3A_157 = arith.cmpi slt, %add3A_155, %lt3A_156 : i32
      %convert_element_type3A_158 = arith.extui %lt3A_157 : i1 to i32
      %cond3A_159 = arith.constant 0 : i32
      %cond3A_160 = arith.cmpi ne, %convert_element_type3A_158, %cond3A_159 : i32
      scf.if %cond3A_160 {
        %add3A_161 = arith.constant 3 : i32
        %add3A_162 = arith.addi %add3A_121, %add3A_161 : i32
        %dma_start3A_163 = arith.constant 0 : i32
        %dma_start3A_164 = tpu.memref_slice %arg6[%add3A_162, %dma_start3A_163] : memref<45x128xi32, #tpu.memory_space<vmem>> -> memref<1x128xi32, #tpu.memory_space<vmem>>
        %dma_start3A_165 = tpu.memref_squeeze %dma_start3A_164 : memref<1x128xi32, #tpu.memory_space<vmem>> -> memref<128xi32, #tpu.memory_space<vmem>>
        %dma_start3A_166 = arith.constant 0 : i32
        %dma_start3A_167 = arith.constant 0 : i32
        %dma_start3A_168 = tpu.memref_slice %arg2[%dma_start3A_166, %dma_start3A_167] : memref<262144x128xf32, #tpu.memory_space<hbm>> -> memref<262144x128xf32, #tpu.memory_space<hbm>>
        tpu.enqueue_indirect_dma source(%dma_start3A_168 : memref<262144x128xf32, #tpu.memory_space<hbm>>) target(%arg9 : memref<128x128xf32, #tpu.memory_space<vmem>>) offsets(%dma_start3A_165 : memref<128xi32, #tpu.memory_space<vmem>>) semaphore(%arg12 : memref<!tpu.dma_semaphore, #tpu.memory_space<semaphore_mem>>)
      } else {
      }
    }
    %scan3A_36 = arith.constant 15 : i32
    return
  }
}

module attributes {stable_mosaic.version = 14 : i64} {
  func.func @_tc_thresh_body(%arg0: memref<16x16384xi32, #tpu.memory_space<vmem>>, %arg1: memref<16x32xi32, #tpu.memory_space<vmem>>) attributes {dimension_semantics = [], scalar_prefetch = 0 : i64, scratch_operands = 0 : i64, tpu.core_type = #tpu.core_type<tc>} {
    %get3A = arith.constant 0 : index
    %get3A_0 = arith.constant 0 : index
    %get3A_1 = vector.load %arg0[%get3A, %get3A_0] : memref<16x16384xi32, #tpu.memory_space<vmem>>, vector<16x16384xi32>
    %broadcast_in_dim3A = arith.constant 0 : i32
    %broadcast_in_dim3A_2 = vector.broadcast %broadcast_in_dim3A : i32 to vector<16x1xi32>
    %scan3A = arith.constant -2147483648 : i32
    %scan3A_3 = arith.constant 0 : i32
    %scan3A_4 = arith.constant 32 : i32
    %scan3A_5 = arith.addi %scan3A_3, %scan3A_4 : i32
    %scan3A_6 = arith.constant 1 : i32
    %scan3A_7 = scf.for %scan3A_22 = %scan3A_3 to %scan3A_5 step %scan3A_6 iter_args(%scan3A_23 = %broadcast_in_dim3A_2) -> (vector<16x1xi32>)  : i32 {
      %sub3A_24 = arith.constant 31 : i32
      %sub3A_25 = arith.subi %sub3A_24, %scan3A_22 : i32
      %shift_left3A = arith.constant 1 : i32
      %shift_left3A_26 = arith.shli %shift_left3A, %sub3A_25 : i32
      %or3A = vector.broadcast %shift_left3A_26 : i32 to vector<16x1xi32>
      %or3A_27 = arith.ori %scan3A_23, %or3A : vector<16x1xi32>
      %xor3A_28 = vector.broadcast %scan3A : i32 to vector<16x1xi32>
      %xor3A_29 = arith.xori %or3A_27, %xor3A_28 : vector<16x1xi32>
      %ge3A = vector.broadcast %xor3A_29 : vector<16x1xi32> to vector<16x16384xi32>
      %ge3A_30 = arith.cmpi sge, %get3A_1, %ge3A : vector<16x16384xi32>
      %convert_element_type3A_31 = arith.extui %ge3A_30 : vector<16x16384xi1> to vector<16x16384xi32>
      %reduce_sum3A_32 = arith.constant dense<0> : vector<16xi32>
      %reduce_sum3A_33 = vector.multi_reduction <add>, %convert_element_type3A_31, %reduce_sum3A_32 [1] : vector<16x16384xi32> to vector<16xi32>
      %broadcast_in_dim3A_34 = vector.shape_cast %reduce_sum3A_33 : vector<16xi32> to vector<16x1xi32>
      %ge3A_35 = arith.constant 11468 : i32
      %ge3A_36 = vector.broadcast %ge3A_35 : i32 to vector<16x1xi32>
      %ge3A_37 = arith.cmpi sge, %broadcast_in_dim3A_34, %ge3A_36 : vector<16x1xi32>
      %select_n3A = arith.select %ge3A_37, %or3A_27, %scan3A_23 : vector<16x1xi1>, vector<16x1xi32>
      scf.yield %select_n3A : vector<16x1xi32>
    }
    %scan3A_8 = arith.constant 32 : i32
    %xor3A = arith.constant -2147483648 : i32
    %xor3A_9 = vector.broadcast %xor3A : i32 to vector<16x1xi32>
    %xor3A_10 = arith.xori %scan3A_7, %xor3A_9 : vector<16x1xi32>
    %gt3A = vector.broadcast %xor3A_10 : vector<16x1xi32> to vector<16x16384xi32>
    %gt3A_11 = arith.cmpi sgt, %get3A_1, %gt3A : vector<16x16384xi32>
    %convert_element_type3A = arith.extui %gt3A_11 : vector<16x16384xi1> to vector<16x16384xi32>
    %reduce_sum3A = arith.constant dense<0> : vector<16xi32>
    %reduce_sum3A_12 = vector.multi_reduction <add>, %convert_element_type3A, %reduce_sum3A [1] : vector<16x16384xi32> to vector<16xi32>
    %broadcast_in_dim3A_13 = vector.shape_cast %reduce_sum3A_12 : vector<16xi32> to vector<16x1xi32>
    %sub3A = arith.constant 11468 : i32
    %sub3A_14 = vector.broadcast %sub3A : i32 to vector<16x1xi32>
    %sub3A_15 = arith.subi %sub3A_14, %broadcast_in_dim3A_13 : vector<16x1xi32>
    %broadcast_in_dim3A_16 = vector.shape_cast %xor3A_10 : vector<16x1xi32> to vector<16x1xi32>
    %broadcast_in_dim3A_17 = vector.broadcast %broadcast_in_dim3A_16 : vector<16x1xi32> to vector<16x16xi32>
    %broadcast_in_dim3A_18 = vector.shape_cast %sub3A_15 : vector<16x1xi32> to vector<16x1xi32>
    %broadcast_in_dim3A_19 = vector.broadcast %broadcast_in_dim3A_18 : vector<16x1xi32> to vector<16x16xi32>
    %concatenate3A = tpu.concatenate %broadcast_in_dim3A_17, %broadcast_in_dim3A_19 in 1 : vector<16x16xi32>, vector<16x16xi32> -> vector<16x32xi32>
    %swap3A = arith.constant 0 : index
    %swap3A_20 = arith.constant 0 : index
    %swap3A_21 = vector.load %arg1[%swap3A, %swap3A_20] : memref<16x32xi32, #tpu.memory_space<vmem>>, vector<16x32xi32>
    tpu.vector_store %arg1[%swap3A, %swap3A_20], %concatenate3A {strides = array<i32>} : memref<16x32xi32, #tpu.memory_space<vmem>>, vector<16x32xi32>,
    return
  }
}

module attributes {stable_mosaic.version = 14 : i64} {
  func.func @_tc_body(%arg0: i32, %arg1: i32, %arg2: memref<1x16384x128xf32, #tpu.memory_space<vmem>>, %arg3: memref<128x128xf32, #tpu.memory_space<vmem>>, %arg4: memref<1x128xf32, #tpu.memory_space<vmem>>, %arg5: memref<1x128xf32, #tpu.memory_space<vmem>>, %arg6: memref<1x1x16384xi32, #tpu.memory_space<vmem>>) attributes {dimension_semantics = [#tpu.dimension_semantics<parallel>, #tpu.dimension_semantics<parallel>], iteration_bounds = array<i64: 16, 1>, scalar_prefetch = 0 : i64, scratch_operands = 0 : i64, tpu.core_type = #tpu.core_type<tc>, window_params = [{transform_indices = @transform_0, window_bounds = array<i64: 1, 16384, 128>}, {pipeline_mode = #tpu.pipeline_mode<synchronous>, transform_indices = @transform_1, window_bounds = array<i64: 128, 128>}, {pipeline_mode = #tpu.pipeline_mode<synchronous>, transform_indices = @transform_2, window_bounds = array<i64: 1, 128>}, {pipeline_mode = #tpu.pipeline_mode<synchronous>, transform_indices = @transform_3, window_bounds = array<i64: 1, 128>}, {transform_indices = @transform_4, window_bounds = array<i64: 1, 1, 16384>}]} {
    %get3A = arith.constant 0 : index
    %get3A_0 = arith.constant 0 : index
    %get3A_1 = arith.constant 0 : index
    %get3A_2 = vector.load %arg2[%get3A, %get3A_0, %get3A_1] : memref<1x16384x128xf32, #tpu.memory_space<vmem>>, vector<1x16384x128xf32>
    %get3A_3 = vector.shape_cast %get3A_2 : vector<1x16384x128xf32> to vector<16384x128xf32>
    %get3A_4 = arith.constant 0 : index
    %get3A_5 = arith.constant 0 : index
    %get3A_6 = vector.load %arg3[%get3A_4, %get3A_5] : memref<128x128xf32, #tpu.memory_space<vmem>>, vector<128x128xf32>
    %dot_general3A = arith.constant dense<0.000000e+00> : vector<16384x128xf32>
    %dot_general3A_7 = tpu.matmul %get3A_3, %get3A_6, %dot_general3A {dimension_numbers = #tpu.dot_dimension_numbers<[1], [1], [0], [0], [0, 0, 1, 0], [], []>, transpose_lhs_hint = false} : vector<16384x128xf32>, vector<128x128xf32>, vector<16384x128xf32> -> vector<16384x128xf32>
    %get3A_8 = arith.constant 0 : index
    %get3A_9 = arith.constant 0 : index
    %get3A_10 = vector.load %arg4[%get3A_8, %get3A_9] : memref<1x128xf32, #tpu.memory_space<vmem>>, vector<1x128xf32>
    %add3A = vector.broadcast %get3A_10 : vector<1x128xf32> to vector<16384x128xf32>
    %add3A_11 = arith.addf %dot_general3A_7, %add3A : vector<16384x128xf32>
    %mul3A = arith.constant 5.000000e-01 : f32
    %mul3A_12 = vector.broadcast %mul3A : f32 to vector<16384x128xf32>
    %mul3A_13 = arith.mulf %mul3A_12, %add3A_11 : vector<16384x128xf32>
    %mul3A_14 = arith.constant 0.707106769 : f32
    %mul3A_15 = vector.broadcast %mul3A_14 : f32 to vector<16384x128xf32>
    %mul3A_16 = arith.mulf %add3A_11, %mul3A_15 : vector<16384x128xf32>
    %erf3A = math.erf %mul3A_16 : vector<16384x128xf32>
    %add3A_17 = arith.constant 1.000000e+00 : f32
    %add3A_18 = vector.broadcast %add3A_17 : f32 to vector<16384x128xf32>
    %add3A_19 = arith.addf %add3A_18, %erf3A : vector<16384x128xf32>
    %mul3A_20 = arith.mulf %mul3A_13, %add3A_19 : vector<16384x128xf32>
    %get3A_21 = arith.constant 0 : index
    %get3A_22 = arith.constant 0 : index
    %get3A_23 = vector.load %arg5[%get3A_21, %get3A_22] : memref<1x128xf32, #tpu.memory_space<vmem>>, vector<1x128xf32>
    %dot_general3A_24 = arith.constant dense<0.000000e+00> : vector<1x16384xf32>
    %dot_general3A_25 = tpu.matmul %get3A_23, %mul3A_20, %dot_general3A_24 {dimension_numbers = #tpu.dot_dimension_numbers<[1], [1], [0], [0], [0, 0, 1, 0], [], []>, transpose_lhs_hint = false} : vector<1x128xf32>, vector<16384x128xf32>, vector<1x16384xf32> -> vector<1x16384xf32>
    %add3A_26 = arith.constant 0.000000e+00 : f32
    %add3A_27 = vector.broadcast %add3A_26 : f32 to vector<1x16384xf32>
    %add3A_28 = arith.addf %dot_general3A_25, %add3A_27 : vector<1x16384xf32>
    %bitcast_convert_type3A = tpu.bitcast %add3A_28 : vector<1x16384xf32> -> vector<1x16384xi32>
    %lt3A = arith.constant 0 : i32
    %lt3A_29 = vector.broadcast %lt3A : i32 to vector<1x16384xi32>
    %lt3A_30 = arith.cmpi slt, %bitcast_convert_type3A, %lt3A_29 : vector<1x16384xi32>
    %not3A = arith.constant dense<-1> : vector<1x16384xi32>
    %not3A_31 = arith.xori %bitcast_convert_type3A, %not3A : vector<1x16384xi32>
    %xor3A = arith.constant -2147483648 : i32
    %xor3A_32 = vector.broadcast %xor3A : i32 to vector<1x16384xi32>
    %xor3A_33 = arith.xori %not3A_31, %xor3A_32 : vector<1x16384xi32>
    %select_n3A = arith.select %lt3A_30, %xor3A_33, %bitcast_convert_type3A : vector<1x16384xi1>, vector<1x16384xi32>
    %reshape3A = vector.shape_cast %select_n3A : vector<1x16384xi32> to vector<1x1x16384xi32>
    %swap3A = arith.constant 0 : index
    %swap3A_34 = arith.constant 0 : index
    %swap3A_35 = arith.constant 0 : index
    %swap3A_36 = vector.load %arg6[%swap3A, %swap3A_34, %swap3A_35] : memref<1x1x16384xi32, #tpu.memory_space<vmem>>, vector<1x1x16384xi32>
    tpu.vector_store %arg6[%swap3A, %swap3A_34, %swap3A_35], %reshape3A {strides = array<i32>} : memref<1x1x16384xi32, #tpu.memory_space<vmem>>, vector<1x1x16384xi32>,
    return
  }
  func.func @transform_0(%arg0: i32, %arg1: i32) -> (i32, i32, i32) {
    %c0_i32 = arith.constant 0 : i32
    %c0_i32_0 = arith.constant 0 : i32
    return %arg0, %arg1, %c0_i32 : i32, i32, i32
  }
  func.func @transform_1(%arg0: i32, %arg1: i32) -> (i32, i32) {
    %c0_i32 = arith.constant 0 : i32
    %c0_i32_0 = arith.constant 0 : i32
    %c0_i32_1 = arith.constant 0 : i32
    return %c0_i32, %c0_i32_0 : i32, i32
  }
  func.func @transform_2(%arg0: i32, %arg1: i32) -> (i32, i32) {
    %c0_i32 = arith.constant 0 : i32
    %c0_i32_0 = arith.constant 0 : i32
    %c0_i32_1 = arith.constant 0 : i32
    return %c0_i32, %c0_i32_0 : i32, i32
  }
  func.func @transform_3(%arg0: i32, %arg1: i32) -> (i32, i32) {
    %c0_i32 = arith.constant 0 : i32
    %c0_i32_0 = arith.constant 0 : i32
    %c0_i32_1 = arith.constant 0 : i32
    return %c0_i32, %c0_i32_0 : i32, i32
  }
  func.func @transform_4(%arg0: i32, %arg1: i32) -> (i32, i32, i32) {
    %c0_i32 = arith.constant 0 : i32
    %c0_i32_0 = arith.constant 0 : i32
    return %arg0, %c0_i32, %arg1 : i32, i32, i32
  }
}

</mosaic_0001>

<sc_bundles>
// kernel: kernel.6.cloned.1.call-start
scs
__scs_entry_jumppad:
0x0: {  	(pc) =	sbr.rel $0x88, $3  }
0x1: {  	(tag) =	ssettag $0x0;
	lr =	simm.s32 $0x1  }
0x2: {  	[smem:$0x3F9D] =	sst lr;
	_ =	strace $0xD0000000  }
0x3: {  	_ = 	snop  }
0x4: {  	_ = 	snop  }
0x5: {  	_ = 	snop  }
0x6: {  	_ = 	snop  }
0x7: {  	_ = 	snop  }
__scs_overlays_trampoline_lowered:
0x8: {  	[smem:$0x3FAC] =	sst s0  }
0x9: {  	[smem:$0x3FAD] =	sst s1  }
0xa: {  	[smem:$0x3FAE] =	sst s2  }
0xb: {  	[smem:$0x3FAF] =	sst s3  }
0xc: {  	[smem:$0x3FB0] =	sst s4  }
0xd: {  	[smem:$0x3FB1] =	sst s5  }
0xe: {  	[smem:$0x3FB2] =	sst s6  }
0xf: {  	[smem:$0x3FB3] =	sst s7  }
0x10: {  	[smem:$0x3FB4] =	sst s8  }
0x11: {  	[smem:$0x3FB5] =	sst s9;
	s0 =	simm.s32 @!p0 $0x0  }
0x12: {  	s1 =	sld [smem:$0x3F9B];
	s0 =	simm.s32 @p0 $0x1  }
0x13: {  	[smem:$0x3FB6] =	sst s0;
	s0 =	simm.s32 @!p1 $0x0  }
0x14: {  	s2 =	sld [smem:$0x3F9A];
	s0 =	simm.s32 @p1 $0x1  }
0x15: {  	[smem:$0x3FB7] =	sst s0;
	s0 =	simm.s32 @!p2 $0x0  }
0x16: {  	s3 =	sld [smem:$0x3FDB];
	s0 =	simm.s32 @p2 $0x1  }
0x17: {  	s4 =	simm.s32 $0x1BF5;
	[smem:$0x3FB9] =	sst s0  }
0x18: {  	s0 =	sld [smem:$0x3F9C];
	_ =	swait.ge [sflag:s4], $0x0  }
0x19: {  	s7 =	sld [smem:$0x3F9D]  }
0x1a: {  	s8 =	sadd.s32 $0xFFFFE003, lr  }
0x1b: {  	s9 =	sadd.s32 $0xFFFFFEF7, lr;
	s5 =	simm.s32 $0xFFFFFFFF;
	p2 =	slt.u32 s8, $0xFFFFF086  }
0x1c: {  	p1 =	slt.u32 s9, $0xF7A;
	s5 =	simm.s32 @!p2 $0x0  }
0x1d: {  	s5 =	simm.s32 @p1 $0x1;
	p0 =	seq.s32 s7, s2  }
0x1e: {  	s7 =	smul.u32 @!p0 $0xF7A, s2;
	p2 =	seq.s32 @!p0 s5, $0x0  }
0x1f: {  	s9 =	smul.u32 $0xF7A, s1;
	s8 =	simm.s32 @!p0 $0x1BF5;
	p2 =	por !p2, p0  }
0x20: {  	[sflag:s8] =	ssyncset.s32 @!p0 $0xFFFFF086;
	s6 =	sadd.s32 @!p0 s3, s7;
	s7 =	simm.s32 @!p0 $0x108  }
0x21: {  	s3 =	sadd.s32 s3, s9;
	s6 =	sadd.s32 @!p0 $0x88, s6;
	s7 =	simm.s32 @p2 $0x1082  }
0x22: {  	[simem:s7], [sflag:s8] =	dma.local @!p0 [hbm:s6], $0xF7A  }
0x23: {  	s9 =	sor.u32 $0xD0000000, s2;
	s6 =	simm.s32 $0x108;
	_ =	swait.ge @!p0 [sflag:s8], $0x0  }
0x24: {  	s3 =	sadd.s32 $0x88, s3;
	s6 =	simm.s32 @!p1 $0x1082;
	[sflag:s4] =	ssyncset.s32 $0xFFFFF086  }
0x25: {  	[simem:s6], [sflag:s4] =	dma.local [hbm:s3], $0xF7A  }
0x26: {  	[smem:$0x3F9D] =	sst s1;
	(tag) =	ssettag s2;
	_ =	strace s9  }
0x27: {  	s1 =	sld [smem:$0x3FAD]  }
0x28: {  	s2 =	sld [smem:$0x3FAE]  }
0x29: {  	s4 =	sld [smem:$0x3FB0]  }
0x2a: {  	p0 =	seq.s32 s5, $0x0;
	s5 =	sld [smem:$0x3FB1]  }
0x2b: {  	s6 =	sld [smem:$0x3FB2]  }
0x2c: {  	s7 =	sld [smem:$0x3FB3]  }
0x2d: {  	s3 =	simm.s32 $0x108;
	s8 =	sld [smem:$0x3FB4]  }
0x2e: {  	s3 =	simm.s32 @!p0 $0x1082;
	s9 =	sld [smem:$0x3FB5]  }
0x2f: {  	lr =	sadd.s32 s0, s3;
	s0 =	sld [smem:$0x3FAC]  }
0x30: {  	s3 =	sld [smem:$0x3FAF]  }
0x31: {  	[smem:$0x3FB8] =	sst s10  }
0x32: {  	s10 =	sld [smem:$0x3FB6];
	_ =	sdelay $0x3  }
0x33: {  	p0 =	seq.s32 s10, $0x1;
	s10 =	sld [smem:$0x3FB8];
	_ =	sdelay $0x3  }
0x34: {  	[smem:$0x3FB8] =	sst s10  }
0x35: {  	s10 =	sld [smem:$0x3FB7];
	_ =	sdelay $0x3  }
0x36: {  	p1 =	seq.s32 s10, $0x1;
	s10 =	sld [smem:$0x3FB8];
	_ =	sdelay $0x3  }
0x37: {  	[smem:$0x3FB8] =	sst s10  }
0x38: {  	s10 =	sld [smem:$0x3FB9]  }
0x39: {  	_ = 	snop;
	(pc) =	sbr.ind lr, $3  }
0x3a: {  	_ = 	snop  }
0x3b: {  	_ = 	snop  }
0x3c: {  	p2 =	seq.s32 s10, $0x1;
	s10 =	sld [smem:$0x3FB8]  }
0x3d: {  	_ =	shalt  }
0x3e: {  	_ =	shalt  }
0x3f: {  	_ =	shalt  }
0x40: {  	_ =	shalt  }
0x41: {  	_ =	shalt  }
0x42: {  	_ =	shalt  }
0x43: {  	_ =	shalt  }
0x44: {  	_ =	shalt  }
0x45: {  	_ =	shalt  }
0x46: {  	_ =	shalt  }
0x47: {  	_ =	shalt  }
0x48: {  	_ =	shalt  }
0x49: {  	_ =	shalt  }
0x4a: {  	_ =	shalt  }
0x4b: {  	_ =	shalt  }
0x4c: {  	_ =	shalt  }
0x4d: {  	_ =	shalt  }
0x4e: {  	_ =	shalt  }
0x4f: {  	_ =	shalt  }
0x50: {  	_ =	shalt  }
0x51: {  	_ =	shalt  }
0x52: {  	_ =	shalt  }
0x53: {  	_ =	shalt  }
0x54: {  	_ =	shalt  }
0x55: {  	_ =	shalt  }
0x56: {  	_ =	shalt  }
0x57: {  	_ =	shalt  }
0x58: {  	_ =	shalt  }
0x59: {  	_ =	shalt  }
0x5a: {  	_ =	shalt  }
0x5b: {  	_ =	shalt  }
0x5c: {  	_ =	shalt  }
0x5d: {  	_ =	shalt  }
0x5e: {  	_ =	shalt  }
0x5f: {  	_ =	shalt  }
0x60: {  	_ =	shalt  }
0x61: {  	_ =	shalt  }
0x62: {  	_ =	shalt  }
0x63: {  	_ =	shalt  }
0x64: {  	_ =	shalt  }
0x65: {  	_ =	shalt  }
0x66: {  	_ =	shalt  }
0x67: {  	_ =	shalt  }
0x68: {  	_ =	shalt  }
0x69: {  	_ =	shalt  }
0x6a: {  	_ =	shalt  }
0x6b: {  	_ =	shalt  }
0x6c: {  	_ =	shalt  }
0x6d: {  	_ =	shalt  }
0x6e: {  	_ =	shalt  }
0x6f: {  	_ =	shalt  }
0x70: {  	_ =	shalt  }
0x71: {  	_ =	shalt  }
0x72: {  	_ =	shalt  }
0x73: {  	_ =	shalt  }
0x74: {  	_ =	shalt  }
0x75: {  	_ =	shalt  }
0x76: {  	_ =	shalt  }
0x77: {  	_ =	shalt  }
0x78: {  	_ =	shalt  }
0x79: {  	_ =	shalt  }
0x7a: {  	_ =	shalt  }
0x7b: {  	_ =	shalt  }
0x7c: {  	_ =	shalt  }
0x7d: {  	_ =	shalt  }
0x7e: {  	_ =	shalt  }
0x7f: {  	_ =	shalt  }
0x80: {  	_ =	shalt  }
0x81: {  	_ =	shalt  }
0x82: {  	_ =	shalt  }
0x83: {  	_ =	shalt  }
0x84: {  	_ =	shalt  }
0x85: {  	_ =	shalt  }
0x86: {  	_ =	shalt  }
0x87: {  	_ =	shalt  }
.Lfunc_end0:
.L_simem_size_0:
called_computation_lowered:
.L_overlay_start_0:
0x88: {  	s2 =	sld [smem:$0x3FD9]  }
0x89: {  	s3 =	sld [smem:$0x3FFE];
	_ =	sdelay $0x1  }
0x8a: {  	s1 =	srdreg.scid  }
0x8b: {  	s0 =	sand.u32 $0x1, s1  }
0x8c: {  	s14 =	sshll.u32 s0, $0xA;
	s2 =	sadd.s32 s3, s2  }
0x8d: {  	s2 =	sadd.s32 s2, s14  }
0x8e: {  	[smem:$0x3FC4] =	sst s2  }
0x8f: {  	_ = 	snop  }
0x90: {  	s2 =	sld [smem:$0x3FD0];
	_ =	sdelay $0x2  }
0x91: {  	s15 =	simm.s32 $0xA;
	s4 =	simm.s32 $0x10  }
0x92: {  	[smem:s4], [sflag:s15] =	dma.local [hbm:s2], $0x1  }
0x93: {  	_ =	swait.eq [sflag:s15], $0x1  }
0x94: {  	[sflag:s15] =	ssyncset.done $0x0  }
0x95: {  	s16 =	sld [smem:$0x10];
	[sflag:s15] =	ssyncadd.s32 $0xFFFFFFFF  }
0x96: {  	s17 =	sld [smem:$0x11];
	(tm) =	ssettm $0x1  }
0x97: {  	s18 =	sld [smem:$0x3FFB];
	_ =	sdelay $0x3  }
0x98: {  	_ =	strace s18  }
0x99: {  	s4 =	sld [smem:$0x3FFC];
	_ =	sdelay $0x3  }
0x9a: {  	_ =	strace s4  }
0x9b: {  	s4 =	sld [smem:$0x3FFD];
	_ =	sdelay $0x3  }
0x9c: {  	_ =	strace s4  }
0x9d: {  	_ =	strace $0x8FFFFFFF  }
0x9e: {  	s19 =	sld [smem:$0x3FDB];
	_ =	sdelay $0x1  }
0x9f: {  	s5 =	simm.s32 $_scs_section_size  }
0xa0: {  	s6 =	simm.s32 $_size__tile_overlayer_lowered;
	s7 =	simm.s32 $_tile_overlayer_lowered  }
0xa1: {  	s22 =	simm.s32 $0x1BFF;
	s21 =	sshll.u32 s7, $0x1;
	s4 =	sadd.s32 s5, s19  }
0xa2: {  	s8 =	simm.s32 $0x0;
	s20 =	sshll.u32 s6, $0x1;
	s6 =	sadd.s32 s21, s4  }
0xa3: {  	[timem:s8], [sflag:s22] =	dma.local [hbm:s6], s20  }
0xa4: {  	_ =	swait.ge [sflag:s22], s20  }
0xa5: {  	s5 =	ssub.s32 $0x0, s20;
	[sflag:s22] =	ssyncset.done $0x0  }
0xa6: {  	[sflag:s22] =	ssyncadd.s32 s5;
	_ =	sdelay $0x1  }
0xa7: {  	s23 =	simm.s32 $0x1B8B  }
0xa8: {  	_ =	swait.ge [sflag:s23], $0x1  }
0xa9: {  	[sflag:s23] =	ssyncset.done $0x0  }
0xaa: {  	s25 =	simm.s32 $0x1B8E;
	s24 =	sld [smem:$0x3FFE];
	[sflag:s23] =	ssyncadd.s32 $0xFFFFFFFF  }
0xab: {  	s26 =	simm.s32 $execute0_lowered;
	[smem:$0x3FD2] =	sst s25  }
0xac: {  	s6 =	sshll.u32 s26, $0x1;
	_ =	strace $0x80000046;
	[dreg:$0x1] =	wrdreg $0xFFFFFFFF  }
0xad: {  	s28 =	simm.s32 $_size_execute0_lowered;
	s4 =	sadd.s32 s4, s6;
	[dreg:$0x0] =	wrdreg $0x0  }
0xae: {  	s6 =	sshll.u32 s28, $0x1;
	[dreg:$0x2] =	wrdreg s4  }
0xaf: {  	[dreg:$0x3] =	wrdreg s6  }
0xb0: {  	[dreg:$0x4] =	wrdreg $0xC0  }
0xb1: {  	_ =	task [dreg:s8], $0x5FFFF  }
0xb2: {  	[dreg:$0x1] =	wrdreg $0xFFFFFFFF  }
0xb3: {  	[dreg:$0x0] =	wrdreg $0x60  }
0xb4: {  	[dreg:$0x2] =	wrdreg s16  }
0xb5: {  	[dreg:$0x3] =	wrdreg s24  }
0xb6: {  	[dreg:$0x4] =	wrdreg s17  }
0xb7: {  	[dreg:$0x5] =	wrdreg $0x9  }
0xb8: {  	_ =	task.clear_ibuf [dreg:s8], $0x6FFFF;
	_ =	strace $0x90000046  }
0xb9: {  	s29 =	simm.s32 $0x9;
	_ =	strace $0x80000048  }
0xba: {  	_ =	swait.ge [sflag:s29], $0x1  }
0xbb: {  	[sflag:s29] =	ssyncadd.s32 $0xFFFFFFFF  }
0xbc: {  	_ =	strace $0x90000048  }
0xbd: {  	_ =	sfence  }
0xbe: {  	s30 =	sld [smem:$0x0];
	_ =	sdelay $0x2  }
0xbf: {  	s31 =	sshll.u32 s1, $0xD;
	s1 =	sshrl.u32 s1, $0x2  }
0xc0: {  	s3 =	sand.u32 $0x4000, s31;
	s1 =	sadd.s32 s1, s30  }
0xc1: {  	s0 =	sor.u32 s3, s0;
	s1 =	sshll.u32 s1, $0x11  }
0xc2: {  	s0 =	sor.u32 s1, s0  }
0xc3: {  	s0 =	sadd.s32 $0x8F2B, s0  }
0xc4: {  	[sflag:s0] =	ssyncadd.remote.s32 $0x1  }
0xc5: {  	_ =	sfence.sel $0xFFFF  }
0xc6: {  	[dreg:$0x0] =	wrdreg $0xFFFFFFFF;
	(pc) =	sbr.abs _section_cstart, $3  }
0xc7: {  	[dreg:$0x1] =	wrdreg $0xFFFFFFFF  }
0xc8: {  	_ =	task.clear_ibuf [dreg:s8], $0x2FFFF;
	_ =	strace $0x9FFFFFFF  }
0xc9: {  	(tm) =	ssettm $0x7FFFFFFF  }
tec
execute0_lowered:
.L_overlay_start_1:
0x0: {  	(tag) =	ssettag $0x1  }
0x1: {  	s1 =	stileid.u32  }
0x2: {  	p0 =	sgt.u32 s1, $0x7  }
.Ltmp0:
0x3: {  	s5 =	rddreg [dreg:$0x0];
	(pc) =	sbr.rel @p0 .LBB2_5-.Ltmp0, $4  }
0x4: {  	s3 =	rddreg [dreg:$0x1]  }
0x5: {  	s4 =	rddreg [dreg:$0x2];
	s2 =	simm.s32 $0x0  }
0x6: {  	[smem:$0x7FF] =	sst s2  }
0x7: {  	s0 =	rddreg [dreg:$0x3];
	_ =	strace $0x80000047  }
0x8: {  	s6 =	srdreg.scid;
	s7 =	sshll.u32 s1, $0x8  }
0x9: {  	s8 =	sshrl.u32 s1, $0x2;
	s10 =	simm.s32 $0x6D00;
	s6 =	sand.u32 $0x1, s6  }
0xa: {  	s11 =	simm.s32 $0x4000;
	s7 =	sand.u32 $0x300, s7;
	s9 =	sshll.u32 s6, $0x7  }
0xb: {  	s28 =	sshll.u32 s8, $0xA;
	s6 =	ssub.s32 $0x2, s6;
	s7 =	sor.u32 s9, s7  }
0xc: {  	s29 =	smul.u32 $0x16800, s8;
	s31 =	sshrl.u32 s6, $0x1;
	s9 =	sor.u32 s28, s7  }
0xd: {  	s8 =	sshll.u32 s8, $0x11;
	s6 =	ssub.s32 s6, s31;
	s9 =	sshrl.u32 s9, $0x3  }
0xe: {  	v0 =	vlaneseq.u32;
	s6 =	smax.u32 s6, $0x1;
	s3 =	sadd.s32 s9, s3;
	s9 =	sor.u32 s29, s7  }
0xf: {  	v8 =	vimm.s32 $0x0;
	v1 =	vadd.s32 $0x2CCC, v0;
	s7 =	sor.u32 s8, s7;
	s8 =	simm.s32 $0x400;
	s3 =	sadd.s32 $0x1200, s3  }
0x10: {  	v2 =	vadd.s32 $0x2CDC, v0;
	v3 =	vor.u32 $0x10, v0;
	v4 =	vadd.s32 $0x2CEC, v0;
	s30 =	sshrl.u32 s9, $0x3;
	s7 =	sshrl.u32 s7, $0x3;
	s9 =	simm.s32 $0x1  }
0x11: {  	v5 =	vor.u32 $0x20, v0;
	v6 =	vadd.s32 $0x2CFC, v0;
	v7 =	vor.u32 $0x30, v0;
	s4 =	sadd.s32 s4, s30;
	s5 =	sadd.s32 s5, s7;
	s7 =	simm.s32 $0x80  }
.LBB2_2:
0x12: {  	s12 =	simm.s32 $0x0  }
0x13: {  	[tilespmem:s12], [sflag:$0x1] =	stream.strided.gather [hbm4b:s5+s7], $0x4000, s8, s7, $0x38;
	[tilespmem:$0x6D80] =	vst v63  }
0x14: {  	_ =	swait.ge [sflag:s9], $0x4000  }
0x15: {  	[sflag:s9] =	ssyncset.done $0x0  }
0x16: {  	[sflag:s9] =	ssyncadd.s32 $0xFFFFC000  }
0x17: {  	[tilespmem:s10], [sflag:$0x1] =	stream.linear.gather [hbm4b:s3+s12], $0x80, $0x38;
	[tilespmem:$0x6D80] =	vst v63  }
0x18: {  	_ =	swait.ge [sflag:s9], $0x80  }
0x19: {  	[sflag:s9] =	ssyncset.done $0x0  }
0x1a: {  	[sflag:s9] =	ssyncadd.s32 $0xFFFFFF80  }
0x1b: {  	v9 =	vld [tilespmem:$0x6D00]  }
0x1c: {  	v10 =	vld [tilespmem:$0x6D10];
	[tilespmem:v1+s11+$0x0] =	vst.idx.msk $0xffff, v0  }
0x1d: {  	[tilespmem:v2+s11+$0x0] =	vst.idx.msk $0xffff, v3  }
0x1e: {  	[tilespmem:v4+s11+$0x0] =	vst.idx.msk $0xffff, v5  }
0x1f: {  	[tilespmem:v6+s11+$0x0] =	vst.idx.msk $0xf, v7  }
0x20: {  	s13 =	simm.s32 $0x10;
	v12 =	vimm.s32 $0x0;
	v11 =	vimm.s32 $0x0;
	s14 =	simm.s32 $0x0;
	v13 =	vld [tilespmem:s12+$0x0]  }
.LBB2_3:
0x21: {  	p0 =	sne.s32 s13, $0x3FF0;
	_ =	sdelay $0x3  }
0x22: {  	vm0 =	vgt.s32 v13, v9;
	vm1 =	veq.s32 v13, v9  }
0x23: {  	v13 =	vsel vm1, $0x1, v8  }
0x24: {  	(xrf0) =	vadd.scan.msk.s32 $0xffff, v13;
	_ =	sdelay $0x5  }
0x25: {  	v13, _, _ =	vpop (xrf0)  }
0x26: {  	v14 =	vadd.s32 v13, v12;
	v13 =	vbroadcast v13, $0xF  }
0x27: {  	v14 =	vadd.s32 $0xFFFFFFFF, v14  }
0x28: {  	vm2 =	vlt.s32 v14, v10;
	v12 =	vadd.s32 v12, v13  }
0x29: {  	vm1 =	vmand vm1, vm2  }
0x2a: {  	vm0 =	vmor vm0, vm1  }
0x2b: {  	v13 =	vsel vm0, $0x1, v8  }
0x2c: {  	(xrf0) =	vadd.scan.msk.s32 $0xffff, v13;
	_ =	sdelay $0x5  }
0x2d: {  	v13, _, _ =	vpop (xrf0)  }
0x2e: {  	v14 =	vadd.s32 v13, v11;
	v13 =	vbroadcast v13, $0xF  }
0x2f: {  	v14 =	vadd.s32 $0xFFFFFFFF, v14  }
0x30: {  	v11 =	vadd.s32 v11, v13  }
.Ltmp1:
0x31: {  	(pc) =	sbr.rel @p0 .LBB2_3-.Ltmp1, $4  }
0x32: {  	_ = 	snop  }
0x33: {  	v13 =	vor.u32 s12, v0;
	s12 =	smov.u32 s13  }
0x34: {  	s14 =	sadd.s32 $0x10, s14;
	[tilespmem:v14+s11+$0x0] =	vst.idx.msk vm0, v13  }
0x35: {  	s13 =	sadd.s32 $0x10, s13;
	v13 =	vld [tilespmem:s14+$0x0]  }
0x36: {  	_ =	sdelay $0x3  }
0x37: {  	vm0 =	veq.s32 v13, v9  }
0x38: {  	v14 =	vsel vm0, $0x1, v8  }
0x39: {  	(xrf0) =	vadd.scan.msk.s32 $0xffff, v14;
	_ =	sdelay $0x5  }
0x3a: {  	v14, _, _ =	vpop (xrf0)  }
0x3b: {  	v12 =	vadd.s32 v14, v12  }
0x3c: {  	v12 =	vadd.s32 $0xFFFFFFFF, v12  }
0x3d: {  	vm1 =	vlt.s32 v12, v10  }
0x3e: {  	vm2 =	vgt.s32 v13, v9;
	vm0 =	vmand vm0, vm1  }
0x3f: {  	vm0 =	vmor vm2, vm0  }
0x40: {  	v9 =	vsel vm0, $0x1, v8  }
0x41: {  	(xrf0) =	vadd.scan.msk.s32 $0xffff, v9;
	_ =	sdelay $0x5  }
0x42: {  	v9, _, _ =	vpop (xrf0)  }
0x43: {  	v9 =	vadd.s32 v9, v11  }
0x44: {  	v9 =	vadd.s32 $0xFFFFFFFF, v9;
	_ =	sdelay $0x2  }
0x45: {  	s2 =	sadd.s32 $0x1, s2  }
0x46: {  	p0 =	sne.s32 s2, s6;
	v10 =	vor.u32 s12, v0  }
.Ltmp2:
0x47: {  	[tilespmem:v9+s11+$0x0] =	vst.idx.msk vm0, v10;
	(pc) =	sbr.rel @p0 .LBB2_2-.Ltmp2, $4  }
0x48: {  	[hbm4b:s4+s7] =	stream.strided.scatter [tilespmem:s11], [sflag:$0x1], $0x2D00, s8, s7, $0x38;
	[tilespmem:$0x6D80] =	vst v63  }
0x49: {  	_ =	swait.ge [sflag:s9], $0x2D00  }
0x4a: {  	[sflag:s9] =	ssyncset.done $0x0  }
0x4b: {  	[sflag:s9] =	ssyncadd.s32 $0xFFFFD300  }
.LBB2_5:
0x4c: {  	_ =	sfence.sel $0x180000  }
0x4d: {  	[bflag:$0x0] =	sbarrier.arrive $0xFFFF  }
0x4e: {  	p0 =	sne.s32 s1, $0x0;
	_ =	strace $0x90000047  }
0x4f: {  	s0 =	sadd.s32 @!p0 $0x100000, s0;
	[bflag:$0x2] =	sbarrier.arrive $0xFFFF  }
0x50: {  	[sflag:s0] =	ssyncadd.tile.s32 @!p0 $0x1;
	_ =	shalt  }
.Lfunc_end2:
_tile_overlayer_lowered:
.L_overlay_start_2:
0x51: {  	(tag) =	ssettag $0x2  }
0x52: {  	s0 =	rddreg [dreg:$0x0];
	s2 =	stileid.u32  }
0x53: {  	s1 =	rddreg [dreg:$0x1];
	p0 =	sne.s32 s2, $0x0  }
0x54: {  	s3 =	rddreg [dreg:$0x2];
	[bflag:$0x3] =	sbarrier.arrive $0xFFFF;
	s2 =	simm.s32 @!p0 $0x1C02  }
0x55: {  	[timem:s3], [sflag:s2] =	dma.local @!p0 [hbm:s0], s1  }
0x56: {  	s0 =	simm.s32 @!p0 $0x2  }
0x57: {  	_ =	swait.ge @!p0 [sflag:s0], s1  }
0x58: {  	s1 =	ssub.s32 @!p0 $0x0, s1;
	[sflag:s0] =	ssyncset.done @!p0 $0x0  }
0x59: {  	[sflag:s0] =	ssyncadd.s32 @!p0 s1  }
0x5a: {  	[bflag:$0x3] =	sbarrier.arrive $0xFFFF  }
0x5b: {  	_ =	shalt  }

// kernel: kernel.9.cloned.1.call-start
scs
__scs_entry_jumppad:
0x0: {  	(pc) =	sbr.rel $0x88, $3  }
0x1: {  	(tag) =	ssettag $0x0;
	lr =	simm.s32 $0x1  }
0x2: {  	[smem:$0x3F9D] =	sst lr;
	_ =	strace $0xD0000000  }
0x3: {  	_ = 	snop  }
0x4: {  	_ = 	snop  }
0x5: {  	_ = 	snop  }
0x6: {  	_ = 	snop  }
0x7: {  	_ = 	snop  }
__scs_overlays_trampoline_lowered:
0x8: {  	[smem:$0x3FAC] =	sst s0  }
0x9: {  	[smem:$0x3FAD] =	sst s1  }
0xa: {  	[smem:$0x3FAE] =	sst s2  }
0xb: {  	[smem:$0x3FAF] =	sst s3  }
0xc: {  	[smem:$0x3FB0] =	sst s4  }
0xd: {  	[smem:$0x3FB1] =	sst s5  }
0xe: {  	[smem:$0x3FB2] =	sst s6  }
0xf: {  	[smem:$0x3FB3] =	sst s7  }
0x10: {  	[smem:$0x3FB4] =	sst s8  }
0x11: {  	[smem:$0x3FB5] =	sst s9;
	s0 =	simm.s32 @!p0 $0x0  }
0x12: {  	s1 =	sld [smem:$0x3F9B];
	s0 =	simm.s32 @p0 $0x1  }
0x13: {  	[smem:$0x3FB6] =	sst s0;
	s0 =	simm.s32 @!p1 $0x0  }
0x14: {  	s2 =	sld [smem:$0x3F9A];
	s0 =	simm.s32 @p1 $0x1  }
0x15: {  	[smem:$0x3FB7] =	sst s0;
	s0 =	simm.s32 @!p2 $0x0  }
0x16: {  	s3 =	sld [smem:$0x3FDB];
	s0 =	simm.s32 @p2 $0x1  }
0x17: {  	s4 =	simm.s32 $0x1BF5;
	[smem:$0x3FB9] =	sst s0  }
0x18: {  	s0 =	sld [smem:$0x3F9C];
	_ =	swait.ge [sflag:s4], $0x0  }
0x19: {  	s7 =	sld [smem:$0x3F9D]  }
0x1a: {  	s8 =	sadd.s32 $0xFFFFE003, lr  }
0x1b: {  	s9 =	sadd.s32 $0xFFFFFEF7, lr;
	s5 =	simm.s32 $0xFFFFFFFF;
	p2 =	slt.u32 s8, $0xFFFFF086  }
0x1c: {  	p1 =	slt.u32 s9, $0xF7A;
	s5 =	simm.s32 @!p2 $0x0  }
0x1d: {  	s5 =	simm.s32 @p1 $0x1;
	p0 =	seq.s32 s7, s2  }
0x1e: {  	s7 =	smul.u32 @!p0 $0xF7A, s2;
	p2 =	seq.s32 @!p0 s5, $0x0  }
0x1f: {  	s9 =	smul.u32 $0xF7A, s1;
	s8 =	simm.s32 @!p0 $0x1BF5;
	p2 =	por !p2, p0  }
0x20: {  	[sflag:s8] =	ssyncset.s32 @!p0 $0xFFFFF086;
	s6 =	sadd.s32 @!p0 s3, s7;
	s7 =	simm.s32 @!p0 $0x108  }
0x21: {  	s3 =	sadd.s32 s3, s9;
	s6 =	sadd.s32 @!p0 $0x88, s6;
	s7 =	simm.s32 @p2 $0x1082  }
0x22: {  	[simem:s7], [sflag:s8] =	dma.local @!p0 [hbm:s6], $0xF7A  }
0x23: {  	s9 =	sor.u32 $0xD0000000, s2;
	s6 =	simm.s32 $0x108;
	_ =	swait.ge @!p0 [sflag:s8], $0x0  }
0x24: {  	s3 =	sadd.s32 $0x88, s3;
	s6 =	simm.s32 @!p1 $0x1082;
	[sflag:s4] =	ssyncset.s32 $0xFFFFF086  }
0x25: {  	[simem:s6], [sflag:s4] =	dma.local [hbm:s3], $0xF7A  }
0x26: {  	[smem:$0x3F9D] =	sst s1;
	(tag) =	ssettag s2;
	_ =	strace s9  }
0x27: {  	s1 =	sld [smem:$0x3FAD]  }
0x28: {  	s2 =	sld [smem:$0x3FAE]  }
0x29: {  	s4 =	sld [smem:$0x3FB0]  }
0x2a: {  	p0 =	seq.s32 s5, $0x0;
	s5 =	sld [smem:$0x3FB1]  }
0x2b: {  	s6 =	sld [smem:$0x3FB2]  }
0x2c: {  	s7 =	sld [smem:$0x3FB3]  }
0x2d: {  	s3 =	simm.s32 $0x108;
	s8 =	sld [smem:$0x3FB4]  }
0x2e: {  	s3 =	simm.s32 @!p0 $0x1082;
	s9 =	sld [smem:$0x3FB5]  }
0x2f: {  	lr =	sadd.s32 s0, s3;
	s0 =	sld [smem:$0x3FAC]  }
0x30: {  	s3 =	sld [smem:$0x3FAF]  }
0x31: {  	[smem:$0x3FB8] =	sst s10  }
0x32: {  	s10 =	sld [smem:$0x3FB6];
	_ =	sdelay $0x3  }
0x33: {  	p0 =	seq.s32 s10, $0x1;
	s10 =	sld [smem:$0x3FB8];
	_ =	sdelay $0x3  }
0x34: {  	[smem:$0x3FB8] =	sst s10  }
0x35: {  	s10 =	sld [smem:$0x3FB7];
	_ =	sdelay $0x3  }
0x36: {  	p1 =	seq.s32 s10, $0x1;
	s10 =	sld [smem:$0x3FB8];
	_ =	sdelay $0x3  }
0x37: {  	[smem:$0x3FB8] =	sst s10  }
0x38: {  	s10 =	sld [smem:$0x3FB9]  }
0x39: {  	_ = 	snop;
	(pc) =	sbr.ind lr, $3  }
0x3a: {  	_ = 	snop  }
0x3b: {  	_ = 	snop  }
0x3c: {  	p2 =	seq.s32 s10, $0x1;
	s10 =	sld [smem:$0x3FB8]  }
0x3d: {  	_ =	shalt  }
0x3e: {  	_ =	shalt  }
0x3f: {  	_ =	shalt  }
0x40: {  	_ =	shalt  }
0x41: {  	_ =	shalt  }
0x42: {  	_ =	shalt  }
0x43: {  	_ =	shalt  }
0x44: {  	_ =	shalt  }
0x45: {  	_ =	shalt  }
0x46: {  	_ =	shalt  }
0x47: {  	_ =	shalt  }
0x48: {  	_ =	shalt  }
0x49: {  	_ =	shalt  }
0x4a: {  	_ =	shalt  }
0x4b: {  	_ =	shalt  }
0x4c: {  	_ =	shalt  }
0x4d: {  	_ =	shalt  }
0x4e: {  	_ =	shalt  }
0x4f: {  	_ =	shalt  }
0x50: {  	_ =	shalt  }
0x51: {  	_ =	shalt  }
0x52: {  	_ =	shalt  }
0x53: {  	_ =	shalt  }
0x54: {  	_ =	shalt  }
0x55: {  	_ =	shalt  }
0x56: {  	_ =	shalt  }
0x57: {  	_ =	shalt  }
0x58: {  	_ =	shalt  }
0x59: {  	_ =	shalt  }
0x5a: {  	_ =	shalt  }
0x5b: {  	_ =	shalt  }
0x5c: {  	_ =	shalt  }
0x5d: {  	_ =	shalt  }
0x5e: {  	_ =	shalt  }
0x5f: {  	_ =	shalt  }
0x60: {  	_ =	shalt  }
0x61: {  	_ =	shalt  }
0x62: {  	_ =	shalt  }
0x63: {  	_ =	shalt  }
0x64: {  	_ =	shalt  }
0x65: {  	_ =	shalt  }
0x66: {  	_ =	shalt  }
0x67: {  	_ =	shalt  }
0x68: {  	_ =	shalt  }
0x69: {  	_ =	shalt  }
0x6a: {  	_ =	shalt  }
0x6b: {  	_ =	shalt  }
0x6c: {  	_ =	shalt  }
0x6d: {  	_ =	shalt  }
0x6e: {  	_ =	shalt  }
0x6f: {  	_ =	shalt  }
0x70: {  	_ =	shalt  }
0x71: {  	_ =	shalt  }
0x72: {  	_ =	shalt  }
0x73: {  	_ =	shalt  }
0x74: {  	_ =	shalt  }
0x75: {  	_ =	shalt  }
0x76: {  	_ =	shalt  }
0x77: {  	_ =	shalt  }
0x78: {  	_ =	shalt  }
0x79: {  	_ =	shalt  }
0x7a: {  	_ =	shalt  }
0x7b: {  	_ =	shalt  }
0x7c: {  	_ =	shalt  }
0x7d: {  	_ =	shalt  }
0x7e: {  	_ =	shalt  }
0x7f: {  	_ =	shalt  }
0x80: {  	_ =	shalt  }
0x81: {  	_ =	shalt  }
0x82: {  	_ =	shalt  }
0x83: {  	_ =	shalt  }
0x84: {  	_ =	shalt  }
0x85: {  	_ =	shalt  }
0x86: {  	_ =	shalt  }
0x87: {  	_ =	shalt  }
.Lfunc_end0:
.L_simem_size_0:
called_computation.1_lowered:
.L_overlay_start_0:
0x88: {  	s2 =	sld [smem:$0x3FD9]  }
0x89: {  	s3 =	sld [smem:$0x3FFE];
	_ =	sdelay $0x1  }
0x8a: {  	s1 =	srdreg.scid  }
0x8b: {  	s0 =	sand.u32 $0x1, s1  }
0x8c: {  	s14 =	sshll.u32 s0, $0xA;
	s2 =	sadd.s32 s3, s2  }
0x8d: {  	s2 =	sadd.s32 s2, s14  }
0x8e: {  	[smem:$0x3FC4] =	sst s2  }
0x8f: {  	_ = 	snop  }
0x90: {  	s2 =	sld [smem:$0x3FD0];
	_ =	sdelay $0x2  }
0x91: {  	s4 =	simm.s32 $0xA;
	s5 =	simm.s32 $0x10;
	s15 =	sld [smem:$0x3FC9]  }
0x92: {  	[smem:s5], [sflag:s4] =	dma.local [hbm:s2], $0x1  }
0x93: {  	_ =	swait.eq [sflag:s4], $0x1  }
0x94: {  	[sflag:s4] =	ssyncset.done $0x0  }
0x95: {  	[sflag:s4] =	ssyncadd.s32 $0xFFFFFFFF  }
0x96: {  	s16 =	sld [smem:$0x10];
	(tm) =	ssettm $0x1  }
0x97: {  	s17 =	sld [smem:$0x3FFB];
	_ =	sdelay $0x3  }
0x98: {  	_ =	strace s17  }
0x99: {  	s4 =	sld [smem:$0x3FFC];
	_ =	sdelay $0x3  }
0x9a: {  	_ =	strace s4  }
0x9b: {  	s4 =	sld [smem:$0x3FFD];
	_ =	sdelay $0x3  }
0x9c: {  	_ =	strace s4  }
0x9d: {  	_ =	strace $0x8FFFFFFF  }
0x9e: {  	s18 =	sld [smem:$0x3FDB];
	_ =	sdelay $0x1  }
0x9f: {  	s19 =	simm.s32 $_scs_section_size  }
0xa0: {  	s6 =	simm.s32 $_size__tile_overlayer_lowered;
	s7 =	simm.s32 $_tile_overlayer_lowered  }
0xa1: {  	s22 =	simm.s32 $0x1BFF;
	s21 =	sshll.u32 s7, $0x1;
	s4 =	sadd.s32 s19, s18  }
0xa2: {  	s8 =	simm.s32 $0x0;
	s20 =	sshll.u32 s6, $0x1;
	s6 =	sadd.s32 s21, s4  }
0xa3: {  	[timem:s8], [sflag:s22] =	dma.local [hbm:s6], s20  }
0xa4: {  	_ =	swait.ge [sflag:s22], s20  }
0xa5: {  	s5 =	ssub.s32 $0x0, s20;
	[sflag:s22] =	ssyncset.done $0x0  }
0xa6: {  	[sflag:s22] =	ssyncadd.s32 s5;
	_ =	sdelay $0x1  }
0xa7: {  	s23 =	simm.s32 $0x1B8B  }
0xa8: {  	_ =	swait.ge [sflag:s23], $0x1  }
0xa9: {  	[sflag:s23] =	ssyncset.done $0x0  }
0xaa: {  	s25 =	simm.s32 $0x1B8E;
	s24 =	sld [smem:$0x3FFE];
	[sflag:s23] =	ssyncadd.s32 $0xFFFFFFFF  }
0xab: {  	s26 =	simm.s32 $execute0_lowered;
	[smem:$0x3FD2] =	sst s25  }
0xac: {  	s6 =	sshll.u32 s26, $0x1;
	_ =	strace $0x80000049;
	[dreg:$0x1] =	wrdreg $0xFFFFFFFF  }
0xad: {  	s28 =	simm.s32 $_size_execute0_lowered;
	s4 =	sadd.s32 s4, s6;
	[dreg:$0x0] =	wrdreg $0x0  }
0xae: {  	s6 =	sshll.u32 s28, $0x1;
	[dreg:$0x2] =	wrdreg s4  }
0xaf: {  	[dreg:$0x3] =	wrdreg s6  }
0xb0: {  	[dreg:$0x4] =	wrdreg $0xC0  }
0xb1: {  	_ =	task [dreg:s8], $0x5FFFF  }
0xb2: {  	[dreg:$0x1] =	wrdreg $0xFFFFFFFF  }
0xb3: {  	[dreg:$0x0] =	wrdreg $0x60  }
0xb4: {  	[dreg:$0x2] =	wrdreg s15  }
0xb5: {  	[dreg:$0x3] =	wrdreg s24  }
0xb6: {  	[dreg:$0x4] =	wrdreg s16  }
0xb7: {  	[dreg:$0x5] =	wrdreg $0x9  }
0xb8: {  	_ =	task.clear_ibuf [dreg:s8], $0x6FFFF;
	_ =	strace $0x90000049  }
0xb9: {  	s29 =	simm.s32 $0x9;
	_ =	strace $0x8000004B  }
0xba: {  	_ =	swait.ge [sflag:s29], $0x1  }
0xbb: {  	[sflag:s29] =	ssyncadd.s32 $0xFFFFFFFF  }
0xbc: {  	_ =	strace $0x9000004B  }
0xbd: {  	_ =	sfence  }
0xbe: {  	s30 =	sld [smem:$0x0];
	_ =	sdelay $0x2  }
0xbf: {  	s31 =	sshll.u32 s1, $0xD;
	s1 =	sshrl.u32 s1, $0x2  }
0xc0: {  	s3 =	sand.u32 $0x4000, s31;
	s1 =	sadd.s32 s1, s30  }
0xc1: {  	s0 =	sor.u32 s3, s0;
	s1 =	sshll.u32 s1, $0x11  }
0xc2: {  	s0 =	sor.u32 s1, s0  }
0xc3: {  	s0 =	sadd.s32 $0x8F2B, s0  }
0xc4: {  	[sflag:s0] =	ssyncadd.remote.s32 $0x1  }
0xc5: {  	_ =	sfence.sel $0xFFFF  }
0xc6: {  	[dreg:$0x0] =	wrdreg $0xFFFFFFFF;
	(pc) =	sbr.abs _section_cstart, $3  }
0xc7: {  	[dreg:$0x1] =	wrdreg $0xFFFFFFFF  }
0xc8: {  	_ =	task.clear_ibuf [dreg:s8], $0x2FFFF;
	_ =	strace $0x9FFFFFFF  }
0xc9: {  	(tm) =	ssettm $0x7FFFFFFF  }
tec
execute0_lowered:
.L_overlay_start_1:
0x0: {  	(tag) =	ssettag $0x1  }
0x1: {  	s1 =	rddreg [dreg:$0x0];
	s2 =	srdreg.scid  }
0x2: {  	s0 =	stileid.u32;
	s4 =	rddreg [dreg:$0x1]  }
0x3: {  	s9 =	rddreg [dreg:$0x2];
	s3 =	simm.s32 $0x0;
	s13 =	simm.s32 $0x1680  }
0x4: {  	s14 =	simm.s32 $0x2E80;
	s15 =	simm.s32 $0x1700;
	s16 =	simm.s32 $0x6E80  }
0x5: {  	s17 =	simm.s32 $0x1780;
	s18 =	simm.s32 $0xAE80;
	s19 =	simm.s32 $0x800  }
0x6: {  	s20 =	simm.s32 $0x4;
	s21 =	simm.s32 $0x2;
	s22 =	simm.s32 $0x5  }
0x7: {  	s23 =	simm.s32 $0x3;
	s25 =	sand.u32 $0x1, s2;
	s2 =	rddreg [dreg:$0x3]  }
0x8: {  	s30 =	sshll.u32 s0, $0x1;
	[smem:$0x7FF] =	sst s3;
	s10 =	sshll.u32 s0, $0x4  }
0x9: {  	s24 =	sshll.u32 s0, $0xE;
	s5 =	sor.u32 s25, s30;
	s6 =	ssub.s32 $0x2, s25  }
0xa: {  	_ =	strace $0x8000004A;
	s11 =	smul.u32 $0x168000, s25;
	s12 =	sadd.s32 s9, s10  }
0xb: {  	v0 =	vmov s24;
	s24 =	simm.s32 $0x6;
	p0 =	seq.s32 s25, $0x0;
	s31 =	sshrl.u32 s6, $0x1  }
0xc: {  	s25 =	simm.s32 $0x0;
	s5 =	smul.u32 $0x2D0, s5;
	s6 =	ssub.s32 s6, s31  }
0xd: {  	s8 =	sadd.s32 s12, s11;
	s11 =	sadd.s32 s11, s9;
	s9 =	sadd.s32 $0x160000, s12  }
0xe: {  	s4 =	sadd.s32 s5, s4;
	s5 =	sadd.s32 $0x2C8000, s12;
	s6 =	smax.u32 s6, $0x1  }
0xf: {  	s7 =	sadd.s32 $0x150000, s8;
	s8 =	sadd.s32 $0x158000, s8;
	s10 =	sadd.s32 s10, s11  }
0x10: {  	s11 =	simm.s32 $0x1;
	s12 =	simm.s32 $0x80;
	s4 =	sadd.s32 $0x1200, s4  }
.LBB2_1:
0x11: {  	[tilespmem:s3], [sflag:$0x1] =	stream.linear.gather [hbm4b:s4+s3], $0x1680, $0x38;
	[tilespmem:$0xEE80] =	vst v63  }
0x12: {  	_ =	swait.ge [sflag:s11], $0x1680  }
0x13: {  	[sflag:s11] =	ssyncset.done $0x0  }
0x14: {  	s28 =	simm.s32 $0x0;
	[sflag:s11] =	ssyncadd.s32 $0xFFFFE980  }
0x15: {  	v2 =	vld [tilespmem:s28+$0x70]  }
0x16: {  	v5 =	vld [tilespmem:s28+$0x0]  }
0x17: {  	v6 =	vld [tilespmem:s28+$0x10]  }
0x18: {  	v4 =	vld [tilespmem:s28+$0x20]  }
0x19: {  	v3 =	vld [tilespmem:s28+$0x30]  }
0x1a: {  	v1 =	vld [tilespmem:s28+$0x40];
	v7 =	vadd.s32 v0, v2  }
0x1b: {  	v2 =	vld [tilespmem:s28+$0x50];
	v5 =	vadd.s32 v0, v5;
	[tilespmem:s28+$0x16F0] =	vst v7  }
0x1c: {  	s26 =	simm.s32 $0x80;
	s29 =	simm.s32 $0x400;
	v6 =	vadd.s32 v0, v6;
	[tilespmem:s28+$0x1680] =	vst v5;
	v5 =	vld [tilespmem:s28+$0x60]  }
.LBB2_2:
0x1d: {  	p1 =	sne.s32 s29, $0x5800;
	v7 =	vld [tilespmem:s26+$0x70];
	[tilespmem:s28+$0x1690] =	vst v6;
	v4 =	vadd.s32 v0, v4  }
0x1e: {  	v6 =	vld [tilespmem:s26+$0x0];
	[tilespmem:s28+$0x16A0] =	vst v4;
	v3 =	vadd.s32 v0, v3  }
0x1f: {  	v8 =	vld [tilespmem:s26+$0x10];
	[tilespmem:s28+$0x16B0] =	vst v3;
	v1 =	vadd.s32 v0, v1  }
.Ltmp0:
0x20: {  	v4 =	vld [tilespmem:s26+$0x20];
	[tilespmem:s28+$0x16C0] =	vst v1;
	v1 =	vadd.s32 v0, v2;
	(pc) =	sbr.rel @p1 .LBB2_2-.Ltmp0, $4  }
0x21: {  	v3 =	vld [tilespmem:s26+$0x30];
	[tilespmem:s28+$0x16D0] =	vst v1;
	v2 =	vadd.s32 v0, v5  }
0x22: {  	v1 =	vld [tilespmem:s26+$0x40];
	v5 =	vadd.s32 v0, v7;
	[tilespmem:s28+$0x16E0] =	vst v2;
	s28 =	smov.u32 s26  }
0x23: {  	v6 =	vadd.s32 v0, v6;
	v2 =	vld [tilespmem:s28+$0x50];
	[tilespmem:s28+$0x16F0] =	vst v5  }
0x24: {  	s26 =	sshra.s32 s29, $0x2;
	s29 =	sadd.s32 $0x200, s29;
	[tilespmem:s28+$0x1680] =	vst v6;
	v6 =	vadd.s32 v0, v8;
	v5 =	vld [tilespmem:s28+$0x60]  }
0x25: {  	v7 =	vld [tilespmem:s26+$0x70];
	[tilespmem:s28+$0x1690] =	vst v6;
	v4 =	vadd.s32 v0, v4  }
0x26: {  	v6 =	vld [tilespmem:s26+$0x0];
	[tilespmem:s28+$0x16A0] =	vst v4;
	v3 =	vadd.s32 v0, v3  }
0x27: {  	v4 =	vld [tilespmem:s26+$0x10];
	[tilespmem:s28+$0x16B0] =	vst v3;
	v1 =	vadd.s32 v0, v1  }
0x28: {  	v3 =	vld [tilespmem:s26+$0x20];
	[tilespmem:s28+$0x16C0] =	vst v1;
	v1 =	vadd.s32 v0, v2  }
0x29: {  	v2 =	vld [tilespmem:s26+$0x30];
	[tilespmem:s28+$0x16D0] =	vst v1;
	v1 =	vadd.s32 v0, v5  }
0x2a: {  	v61 =	vld [tilespmem:s26+$0x40];
	[tilespmem:s28+$0x16E0] =	vst v1;
	v1 =	vadd.s32 v0, v7  }
0x2b: {  	v62 =	vld [tilespmem:s26+$0x50];
	v6 =	vadd.s32 v0, v6;
	[tilespmem:s26+$0x16F0] =	vst v1  }
0x2c: {  	v63 =	vld [tilespmem:s26+$0x60];
	[tilespmem:s26+$0x1680] =	vst v6;
	v1 =	vadd.s32 v0, v4  }
0x2d: {  	[tilespmem:s26+$0x1690] =	vst v1;
	v1 =	vadd.s32 v0, v3  }
0x2e: {  	[tilespmem:s26+$0x16A0] =	vst v1;
	v1 =	vadd.s32 v0, v2  }
0x2f: {  	[tilespmem:s26+$0x16B0] =	vst v1;
	v1 =	vadd.s32 v0, v61  }
0x30: {  	[tilespmem:s26+$0x16C0] =	vst v1;
	v1 =	vadd.s32 v0, v62  }
0x31: {  	[tilespmem:s26+$0x16D0] =	vst v1;
	v1 =	vadd.s32 v0, v63  }
0x32: {  	[tilespmem:s26+$0x16E0] =	vst v1  }
0x33: {  	[tilespmem:s14], [sflag:$0x1] =	stream.indirect.gather [hbm4b:s1+s12], $0x80, s13, s12, $0xb8;
	[tilespmem:$0xEE80] =	vst v63  }
0x34: {  	_ = 	snop  }
0x35: {  	[tilespmem:s16], [sflag:$0x2] =	stream.indirect.gather [hbm4b:s1+s12], $0x80, s15, s12, $0xb8;
	[tilespmem:$0xEE80] =	vst v63  }
0x36: {  	_ = 	snop  }
0x37: {  	[tilespmem:s18], [sflag:$0x3] =	stream.indirect.gather [hbm4b:s1+s12], $0x80, s17, s12, $0xb8;
	[tilespmem:$0xEE80] =	vst v63  }
0x38: {  	_ =	swait.ge [sflag:s11], $0x4000  }
0x39: {  	[sflag:s11] =	ssyncset.done $0x0  }
0x3a: {  	s31 =	sadd.s32 $0x0, s10;
	[sflag:s11] =	ssyncadd.s32 $0xFFFFC000  }
0x3b: {  	[hbm4b:s31+s12] =	stream.strided.scatter [tilespmem:s14], [sflag:$0x4], $0x4000, s19, s12, $0x38;
	[tilespmem:$0xEE80] =	vst v63  }
0x3c: {  	_ =	swait.ge [sflag:s20], $0x4000  }
0x3d: {  	[sflag:s20] =	ssyncset.done $0x0  }
0x3e: {  	s28 =	simm.s32 $0x1800;
	[sflag:s20] =	ssyncadd.s32 $0xFFFFC000  }
0x3f: {  	[tilespmem:s14], [sflag:$0x1] =	stream.indirect.gather [hbm4b:s1+s12], $0x80, s28, s12, $0xb8;
	[tilespmem:$0xEE80] =	vst v63  }
0x40: {  	_ =	swait.ge [sflag:s21], $0x4000  }
0x41: {  	[sflag:s21] =	ssyncset.done $0x0  }
0x42: {  	s28 =	sadd.s32 $0x8000, s31;
	[sflag:s21] =	ssyncadd.s32 $0xFFFFC000  }
0x43: {  	[hbm4b:s28+s12] =	stream.strided.scatter [tilespmem:s16], [sflag:$0x5], $0x4000, s19, s12, $0x38;
	[tilespmem:$0xEE80] =	vst v63  }
0x44: {  	_ =	swait.ge [sflag:s22], $0x4000  }
0x45: {  	[sflag:s22] =	ssyncset.done $0x0  }
0x46: {  	s28 =	simm.s32 $0x1880;
	[sflag:s22] =	ssyncadd.s32 $0xFFFFC000  }
0x47: {  	[tilespmem:s16], [sflag:$0x2] =	stream.indirect.gather [hbm4b:s1+s12], $0x80, s28, s12, $0xb8;
	[tilespmem:$0xEE80] =	vst v63  }
0x48: {  	_ =	swait.ge [sflag:s23], $0x4000  }
0x49: {  	[sflag:s23] =	ssyncset.done $0x0  }
0x4a: {  	s26 =	sadd.s32 $0x10000, s31;
	[sflag:s23] =	ssyncadd.s32 $0xFFFFC000  }
0x4b: {  	[hbm4b:s26+s12] =	stream.strided.scatter [tilespmem:s18], [sflag:$0x6], $0x4000, s19, s12, $0x38;
	[tilespmem:$0xEE80] =	vst v63  }
0x4c: {  	_ =	swait.ge [sflag:s24], $0x4000  }
0x4d: {  	s29 =	simm.s32 $0x1A80;
	[sflag:s24] =	ssyncset.done $0x0  }
0x4e: {  	s28 =	simm.s32 $0x18000;
	s26 =	simm.s32 $0x1900;
	[sflag:s24] =	ssyncadd.s32 $0xFFFFC000  }
.LBB2_4:
0x4f: {  	[tilespmem:s18], [sflag:$0x3] =	stream.indirect.gather [hbm4b:s1+s12], $0x80, s26, s12, $0xb8;
	[tilespmem:$0xEE80] =	vst v63  }
0x50: {  	s30 =	smov.u32 s28;
	s26 =	smov.u32 s29  }
0x51: {  	p1 =	sne.s32 s28, $0x138000;
	s28 =	sadd.s32 $0x18000, s28;
	_ =	swait.ge [sflag:s11], $0x4000  }
0x52: {  	[sflag:s11] =	ssyncset.done $0x0  }
0x53: {  	s30 =	sadd.s32 s30, s10;
	[sflag:s11] =	ssyncadd.s32 $0xFFFFC000  }
0x54: {  	[hbm4b:s30+s12] =	stream.strided.scatter [tilespmem:s14], [sflag:$0x4], $0x4000, s19, s12, $0x38;
	[tilespmem:$0xEE80] =	vst v63  }
0x55: {  	_ =	swait.ge [sflag:s20], $0x4000  }
0x56: {  	[sflag:s20] =	ssyncset.done $0x0  }
0x57: {  	s31 =	sadd.s32 $0xFFFFFF00, s29;
	[sflag:s20] =	ssyncadd.s32 $0xFFFFC000  }
0x58: {  	[tilespmem:s14], [sflag:$0x1] =	stream.indirect.gather [hbm4b:s1+s12], $0x80, s31, s12, $0xb8;
	[tilespmem:$0xEE80] =	vst v63  }
0x59: {  	_ =	swait.ge [sflag:s21], $0x4000  }
0x5a: {  	[sflag:s21] =	ssyncset.done $0x0  }
0x5b: {  	s31 =	sadd.s32 $0x8000, s30;
	[sflag:s21] =	ssyncadd.s32 $0xFFFFC000  }
0x5c: {  	[hbm4b:s31+s12] =	stream.strided.scatter [tilespmem:s16], [sflag:$0x5], $0x4000, s19, s12, $0x38;
	[tilespmem:$0xEE80] =	vst v63  }
0x5d: {  	_ =	swait.ge [sflag:s22], $0x4000  }
0x5e: {  	[sflag:s22] =	ssyncset.done $0x0  }
0x5f: {  	s31 =	sadd.s32 $0xFFFFFF80, s29;
	[sflag:s22] =	ssyncadd.s32 $0xFFFFC000  }
0x60: {  	[tilespmem:s16], [sflag:$0x2] =	stream.indirect.gather [hbm4b:s1+s12], $0x80, s31, s12, $0xb8;
	[tilespmem:$0xEE80] =	vst v63  }
0x61: {  	_ =	swait.ge [sflag:s23], $0x4000  }
0x62: {  	[sflag:s23] =	ssyncset.done $0x0  }
.Ltmp1:
0x63: {  	s30 =	sadd.s32 $0x10000, s30;
	[sflag:s23] =	ssyncadd.s32 $0xFFFFC000;
	(pc) =	sbr.rel @p1 .LBB2_4-.Ltmp1, $4  }
0x64: {  	[hbm4b:s30+s12] =	stream.strided.scatter [tilespmem:s18], [sflag:$0x6], $0x4000, s19, s12, $0x38;
	[tilespmem:$0xEE80] =	vst v63  }
0x65: {  	_ =	swait.ge [sflag:s24], $0x4000  }
0x66: {  	[sflag:s24] =	ssyncset.done $0x0  }
0x67: {  	s29 =	sadd.s32 $0x180, s29;
	[sflag:s24] =	ssyncadd.s32 $0xFFFFC000  }
0x68: {  	[tilespmem:s18], [sflag:$0x3] =	stream.indirect.gather [hbm4b:s1+s12], $0x80, s26, s12, $0xb8;
	[tilespmem:$0xEE80] =	vst v63  }
0x69: {  	_ =	swait.ge [sflag:s11], $0x4000  }
0x6a: {  	[sflag:s11] =	ssyncset.done $0x0  }
0x6b: {  	[sflag:s11] =	ssyncadd.s32 $0xFFFFC000  }
0x6c: {  	[hbm4b:s7+s12] =	stream.strided.scatter [tilespmem:s14], [sflag:$0x4], $0x4000, s19, s12, $0x38;
	[tilespmem:$0xEE80] =	vst v63  }
0x6d: {  	_ =	swait.ge [sflag:s20], $0x4000  }
0x6e: {  	[sflag:s20] =	ssyncset.done $0x0  }
0x6f: {  	[sflag:s20] =	ssyncadd.s32 $0xFFFFC000  }
0x70: {  	_ =	swait.ge [sflag:s21], $0x4000  }
0x71: {  	[sflag:s21] =	ssyncset.done $0x0  }
0x72: {  	[sflag:s21] =	ssyncadd.s32 $0xFFFFC000  }
0x73: {  	[hbm4b:s8+s12] =	stream.strided.scatter [tilespmem:s16], [sflag:$0x5], $0x4000, s19, s12, $0x38;
	[tilespmem:$0xEE80] =	vst v63  }
0x74: {  	_ =	swait.ge [sflag:s22], $0x4000  }
0x75: {  	[sflag:s22] =	ssyncset.done $0x0  }
0x76: {  	[sflag:s22] =	ssyncadd.s32 $0xFFFFC000  }
0x77: {  	_ =	swait.ge [sflag:s23], $0x4000  }
0x78: {  	s26 =	simm.s32 @p0 $0x80;
	[sflag:s23] =	ssyncset.done $0x0  }
0x79: {  	s28 =	simm.s32 @p0 $0x800;
	s29 =	simm.s32 @p0 $0xAE80;
	[sflag:s23] =	ssyncadd.s32 $0xFFFFC000  }
0x7a: {  	[hbm4b:s9+s26] =	stream.strided.scatter @p0 [tilespmem:s29], [sflag:$0x6], $0x4000, s28, s26, $0x38;
	[tilespmem:$0xEE80] =	vst v63  }
0x7b: {  	s26 =	simm.s32 @p0 $0x6  }
0x7c: {  	s25 =	sadd.s32 $0x1, s25;
	_ =	swait.ge @p0 [sflag:s26], $0x4000  }
0x7d: {  	p1 =	sne.s32 s25, s6;
	s28 =	simm.s32 @!p0 $0x800;
	[sflag:s26] =	ssyncset.done @p0 $0x0  }
0x7e: {  	s29 =	simm.s32 @!p0 $0xAE80;
	[sflag:s26] =	ssyncadd.s32 @p0 $0xFFFFC000;
	s26 =	simm.s32 @!p0 $0x80  }
0x7f: {  	[hbm4b:s5+s26] =	stream.strided.scatter @!p0 [tilespmem:s29], [sflag:$0x6], $0x2600, s28, s26, $0x38;
	[tilespmem:$0xEE80] =	vst v63  }
.Ltmp2:
0x80: {  	_ = 	snop;
	(pc) =	sbr.rel @p1 .LBB2_1-.Ltmp2, $4  }
0x81: {  	s26 =	simm.s32 @!p0 $0x6  }
0x82: {  	_ =	swait.ge @!p0 [sflag:s26], $0x2600  }
0x83: {  	[sflag:s26] =	ssyncset.done @!p0 $0x0  }
0x84: {  	[sflag:s26] =	ssyncadd.s32 @!p0 $0xFFFFDA00  }
0x85: {  	_ =	sfence.sel $0x180000  }
0x86: {  	[bflag:$0x0] =	sbarrier.arrive $0xFFFF  }
0x87: {  	p0 =	sne.s32 s0, $0x0;
	_ =	strace $0x9000004A  }
0x88: {  	s0 =	sadd.s32 @!p0 $0x100000, s2;
	[bflag:$0x2] =	sbarrier.arrive $0xFFFF  }
0x89: {  	[sflag:s0] =	ssyncadd.tile.s32 @!p0 $0x1;
	_ =	shalt  }
.Lfunc_end2:
_tile_overlayer_lowered:
.L_overlay_start_2:
0x8a: {  	(tag) =	ssettag $0x2  }
0x8b: {  	s0 =	rddreg [dreg:$0x0];
	s2 =	stileid.u32  }
0x8c: {  	s1 =	rddreg [dreg:$0x1];
	p0 =	sne.s32 s2, $0x0  }
0x8d: {  	s3 =	rddreg [dreg:$0x2];
	[bflag:$0x3] =	sbarrier.arrive $0xFFFF;
	s2 =	simm.s32 @!p0 $0x1C07  }
0x8e: {  	[timem:s3], [sflag:s2] =	dma.local @!p0 [hbm:s0], s1  }
0x8f: {  	s0 =	simm.s32 @!p0 $0x7  }
0x90: {  	_ =	swait.ge @!p0 [sflag:s0], s1  }
0x91: {  	s1 =	ssub.s32 @!p0 $0x0, s1;
	[sflag:s0] =	ssyncset.done @!p0 $0x0  }
0x92: {  	[sflag:s0] =	ssyncadd.s32 @!p0 s1  }
0x93: {  	[bflag:$0x3] =	sbarrier.arrive $0xFFFF  }
0x94: {  	_ =	shalt  }

</sc_bundles>
